<compile_context>
chip_gen: v7x
topology: tpu7x:2x2x1
jax: 0.10.2.dev20260603
libtpu: 0.0.44.dev20260713+nightly
codegen_flags: <defaults>
</compile_context>

<pallas_src>
import jax
import jax.numpy as jnp
from jax import lax
from jax.experimental import pallas as pl
from jax.experimental.pallas import tpu as pltpu
from jax.experimental.pallas import tpu_sc as plsc

_BN = 4096
_N_TOKENS = 32768
_NS = 16
_VL = 16
_NE = 8


def _gate_kernel(xa_ref, xb_ref, wt_ref, tkw_ref, tki_ref, stats_ref, acc_ref):
    step = pl.program_id(0)
    bn = xa_ref.shape[0]
    hh = xa_ref.shape[1]
    e = wt_ref.shape[1]

    @pl.when(step == 0)
    def _init():
        acc_ref[...] = jnp.zeros_like(acc_ref)

    logits = (
        jnp.dot(xa_ref[...], wt_ref[0:hh, :], preferred_element_type=jnp.float32)
        + jnp.dot(xb_ref[...], wt_ref[hh:, :], preferred_element_type=jnp.float32)
    )
    lt = logits.T

    iota = jax.lax.broadcasted_iota(jnp.int32, (e, bn), 0)
    m1 = jnp.max(lt, axis=0, keepdims=True)
    i1 = jnp.min(jnp.where(lt == m1, iota, e), axis=0, keepdims=True)
    masked = jnp.where(iota == i1, -jnp.inf, lt)
    m2 = jnp.max(masked, axis=0, keepdims=True)
    i2 = jnp.min(jnp.where(masked == m2, iota, e), axis=0, keepdims=True)

    r = jnp.exp(m2 - m1)
    denom = 1.0 + r
    tkw_ref[...] = jnp.concatenate([1.0 / denom, r / denom], axis=0)
    tki_ref[...] = jnp.concatenate([i1, i2], axis=0)

    ex = jnp.exp(lt - m1)
    probs = ex / jnp.sum(ex, axis=0, keepdims=True)
    acc_ref[...] += jnp.sum(probs, axis=1, keepdims=True)
    stats_ref[...] = acc_ref[...]


def _loss_body(idx_hbm, psum_hbm, loss_hbm,
               idx_buf, acc8_ref, cnt_ref, iota_ref, zero_ref, psum_ref,
               out_ref, shared_ref):
    cid = lax.axis_index("c")
    sid = lax.axis_index("s")
    chunk = 2 * _N_TOKENS // _NS
    iota = lax.iota(jnp.int32, _VL)

    @pl.when(sid == 0)
    def _init_shared():
        zero_ref[...] = jnp.zeros((_VL,), jnp.float32)
        pltpu.sync_copy(zero_ref, shared_ref)

    pltpu.sync_copy(idx_hbm.at[pl.ds(sid * chunk, chunk)], idx_buf)
    for e in range(_NE):
        acc8_ref[e] = jnp.zeros((_VL,), jnp.int32)
    plsc.subcore_barrier()

    one_i = jnp.ones((_VL,), jnp.int32)
    zero_i = jnp.zeros((_VL,), jnp.int32)

    def body(i, carry):
        v = idx_buf[pl.ds(i * _VL, _VL)]
        for e in range(_NE):
            acc8_ref[e] = acc8_ref[e] + jnp.where(v == e, one_i, zero_i)
        return carry

    lax.fori_loop(0, chunk // _VL, body, 0)

    cnt_ref[...] = jnp.zeros((_VL,), jnp.float32)
    for e in range(_NE):
        cum = plsc.cumsum(acc8_ref[e].astype(jnp.float32))
        plsc.store_scatter(cnt_ref,
                           [jnp.full((_VL,), e, jnp.int32)],
                           cum, mask=iota == _VL - 1)
    iota_ref[...] = iota
    pltpu.sync_copy(cnt_ref, shared_ref.at[iota_ref], add=True)
    plsc.subcore_barrier()

    @pl.when((cid == 0) & (sid == 0))
    def _finalize():
        psum_ref[...] = jnp.zeros((_VL,), jnp.float32)
        pltpu.sync_copy(psum_hbm, psum_ref.at[pl.ds(0, _NE)])
        pltpu.sync_copy(shared_ref, cnt_ref)
        scale = jnp.float32(_NE) / jnp.float32(_N_TOKENS * _N_TOKENS)
        prod = cnt_ref[...] * psum_ref[...] * scale
        out_ref[...] = plsc.cumsum(prod)
        pltpu.sync_copy(out_ref, loss_hbm)


def _loss_call(idx_flat, psum_flat):
    mesh = plsc.VectorSubcoreMesh(core_axis_name="c", subcore_axis_name="s")
    chunk = 2 * _N_TOKENS // _NS
    fn = pl.kernel(
        _loss_body,
        mesh=mesh,
        out_type=jax.ShapeDtypeStruct((_VL,), jnp.float32),
        scratch_types=[
            pltpu.VMEM((chunk,), jnp.int32),
            pltpu.VMEM((_NE, _VL), jnp.int32),
            pltpu.VMEM((_VL,), jnp.float32),
            pltpu.VMEM((_VL,), jnp.int32),
            pltpu.VMEM((_VL,), jnp.float32),
            pltpu.VMEM((_VL,), jnp.float32),
            pltpu.VMEM((_VL,), jnp.float32),
            pltpu.VMEM_SHARED((_VL,), jnp.float32),
        ],
        compiler_params=pltpu.CompilerParams(needs_layout_passes=False),
    )
    return fn(idx_flat, psum_flat)


def kernel(x, W):
    n, h = x.shape
    e = W.shape[0]
    bn = _BN
    nb = n // bn
    wt = W.T
    tkw_t, tki_t, stats = pl.pallas_call(
        _gate_kernel,
        grid=(nb,),
        in_specs=[
            pl.BlockSpec((bn, h // 2), lambda i: (i, 0)),
            pl.BlockSpec((bn, h // 2), lambda i: (i, 1)),
            pl.BlockSpec((h, e), lambda i: (0, 0)),
        ],
        out_specs=[
            pl.BlockSpec((2, bn), lambda i: (0, i)),
            pl.BlockSpec((2, bn), lambda i: (0, i)),
            pl.BlockSpec((e, 1), lambda i: (0, 0)),
        ],
        out_shape=[
            jax.ShapeDtypeStruct((2, n), jnp.float32),
            jax.ShapeDtypeStruct((2, n), jnp.int32),
            jax.ShapeDtypeStruct((e, 1), jnp.float32),
        ],
        scratch_shapes=[pltpu.VMEM((e, 1), jnp.float32)],
        compiler_params=pltpu.CompilerParams(
            dimension_semantics=("arbitrary",)),
    )(x, x, wt)
    loss_vec = _loss_call(tki_t.reshape(-1), stats.reshape(-1))
    return tkw_t.T, tki_t.T, loss_vec[_VL - 1]

# --- scband reference (transcript-rebuilt; emitter-appended) ---
"""Pipeline reference for scband-mo-erouter-28381143892385 (READ-ONLY COPY).

The authoritative reference and input builder live on the scoring server;
editing this copy changes nothing except your own understanding.
"""

import jax, jax.numpy as jnp
import numpy as np

NUM_EXPERTS = 8
TOP_K = 2
HIDDEN_DIM = 768
N_TOKENS = 32768


def setup_inputs(seed: int = 0) -> dict:
    key = jax.random.key(seed)
    kx, kw = jax.random.split(key)
    x = jax.random.normal(kx, (N_TOKENS, HIDDEN_DIM), dtype=jnp.float32)
    # nn.Linear(hidden_dim, num_experts, bias=False) weight: [num_experts, hidden_dim]
    W = jax.random.normal(kw, (NUM_EXPERTS, HIDDEN_DIM), dtype=jnp.float32) * 0.02
    return {"x": x, "W": W}


def reference(x, W):
    # Eval mode: jitter noise is skipped (self.training is False).
    logits = x @ W.T  # [N, E]
    top_k_logits, top_k_indices = jax.lax.top_k(logits, TOP_K)  # [N, k]
    top_k_weights = jax.nn.softmax(top_k_logits, axis=-1)
    probs = jax.nn.softmax(logits, axis=-1)
    # scatter_add of ones per selected expert (SparseCore scatter-add)
    tokens_per_expert = jnp.zeros((NUM_EXPERTS,), dtype=x.dtype).at[
        top_k_indices.reshape(-1)
    ].add(jnp.ones((N_TOKENS * TOP_K,), dtype=x.dtype))
    f = tokens_per_expert / max(x.shape[0], 1)
    P = probs.mean(axis=0)
    load_balance_loss = NUM_EXPERTS * (f * P).sum()
    return (top_k_weights, top_k_indices, load_balance_loss)

if __name__ == "__main__":
    import jax
    _d = setup_inputs()
    print(jax.jit(kernel)(*tuple(_d.values())))

</pallas_src>

<mosaic_0001>
#map = affine_map<(d0, d1) -> (0)>
module attributes {stable_mosaic.version = 14 : i64} {
  func.func @_loss_body(%arg0: i32, %arg1: i32, %arg2: memref<65536xi32, #tpu.memory_space<hbm>>, %arg3: memref<8xf32, #tpu.memory_space<hbm>>, %arg4: memref<16xf32, #tpu.memory_space<hbm>>, %arg5: memref<4096xi32, #tpu.memory_space<vmem>>, %arg6: memref<8x16xi32, #tpu.memory_space<vmem>>, %arg7: memref<16xf32, #tpu.memory_space<vmem>>, %arg8: memref<16xi32, #tpu.memory_space<vmem>>, %arg9: memref<16xf32, #tpu.memory_space<vmem>>, %arg10: memref<16xf32, #tpu.memory_space<vmem>>, %arg11: memref<16xf32, #tpu.memory_space<vmem>>, %arg12: memref<16xf32, #tpu.memory_space<vmem_shared>>) attributes {dimension_semantics = [#tpu.dimension_semantics<core_parallel>, #tpu.dimension_semantics<subcore_parallel>], iteration_bounds = array<i64: 2, 16>, scalar_prefetch = 0 : i64, scratch_operands = 8 : i64, tpu.core_type = #tpu.core_type<sc_vector_subcore>, window_params = [{transform_indices = #map}, {transform_indices = #map}, {transform_indices = #map}]} {
    %iota3A = tpu.iota {dimensions = array<i32: 0>} : vector<16xi32>
    %eq3A = arith.constant 0 : i32
    %eq3A_0 = arith.cmpi eq, %arg1, %eq3A : i32
    %convert_element_type3A = arith.extui %eq3A_0 : i1 to i32
    %cond3A = arith.constant 0 : i32
    %cond3A_1 = arith.cmpi ne, %convert_element_type3A, %cond3A : i32
    scf.if %cond3A_1 {
      %broadcast_in_dim3A_174 = arith.constant 0.000000e+00 : f32
      %broadcast_in_dim3A_175 = vector.broadcast %broadcast_in_dim3A_174 : f32 to vector<16xf32>
      %swap3A_176 = arith.constant 0 : index
      %swap3A_177 = tpu.vector_load %arg9[%swap3A_176] {strides = array<i32>} : memref<16xf32, #tpu.memory_space<vmem>>, vector<16xf32>,
      tpu.vector_store %arg9[%swap3A_176], %broadcast_in_dim3A_175 {strides = array<i32>} : memref<16xf32, #tpu.memory_space<vmem>>, vector<16xf32>,
      "tpu.region"() ({
        %run_scoped3A = tpu.sem_alloc : memref<!tpu.dma_semaphore, #tpu.memory_space<semaphore_mem>>
        tpu.enqueue_dma source(%arg9 : memref<16xf32, #tpu.memory_space<vmem>>) target(%arg12 : memref<16xf32, #tpu.memory_space<vmem_shared>>) target_semaphore(%run_scoped3A : memref<!tpu.dma_semaphore, #tpu.memory_space<semaphore_mem>>)
        tpu.wait_dma2 semaphore(%run_scoped3A : memref<!tpu.dma_semaphore, #tpu.memory_space<semaphore_mem>>) src(%arg9 : memref<16xf32, #tpu.memory_space<vmem>>) dst(%arg12 : memref<16xf32, #tpu.memory_space<vmem_shared>>)
        tpu.yield
      }) : () -> ()
    } else {
    }
    %mul3A = arith.constant 4096 : i32
    %mul3A_2 = arith.muli %arg1, %mul3A : i32
    "tpu.region"() ({
      %run_scoped3A = tpu.sem_alloc : memref<!tpu.dma_semaphore, #tpu.memory_space<semaphore_mem>>
      %dma_start3A = tpu.memref_slice %arg2[%mul3A_2] : memref<65536xi32, #tpu.memory_space<hbm>> -> memref<4096xi32, #tpu.memory_space<hbm>>
      %dma_start3A_174 = tpu.memref_slice %arg2[%mul3A_2] : memref<65536xi32, #tpu.memory_space<hbm>> -> memref<4096xi32, #tpu.memory_space<hbm>>
      tpu.enqueue_dma source(%dma_start3A_174 : memref<4096xi32, #tpu.memory_space<hbm>>) target(%arg5 : memref<4096xi32, #tpu.memory_space<vmem>>) target_semaphore(%run_scoped3A : memref<!tpu.dma_semaphore, #tpu.memory_space<semaphore_mem>>)
      %dma_wait3A = tpu.memref_slice %arg2[%mul3A_2] : memref<65536xi32, #tpu.memory_space<hbm>> -> memref<4096xi32, #tpu.memory_space<hbm>>
      %dma_wait3A_175 = tpu.memref_slice %arg2[%mul3A_2] : memref<65536xi32, #tpu.memory_space<hbm>> -> memref<4096xi32, #tpu.memory_space<hbm>>
      tpu.wait_dma2 semaphore(%run_scoped3A : memref<!tpu.dma_semaphore, #tpu.memory_space<semaphore_mem>>) src(%dma_wait3A_175 : memref<4096xi32, #tpu.memory_space<hbm>>) dst(%arg5 : memref<4096xi32, #tpu.memory_space<vmem>>)
      tpu.yield
    }) : () -> ()
    %broadcast_in_dim3A = arith.constant 0 : i32
    %broadcast_in_dim3A_3 = vector.broadcast %broadcast_in_dim3A : i32 to vector<16xi32>
    %swap3A = arith.constant 0 : i32
    %swap3A_4 = arith.index_cast %swap3A : i32 to index
    %swap3A_5 = arith.constant 0 : index
    %swap3A_6 = tpu.vector_load %arg6[%swap3A_4, %swap3A_5] {strides = array<i32>} : memref<8x16xi32, #tpu.memory_space<vmem>>, vector<16xi32>,
    tpu.vector_store %arg6[%swap3A_4, %swap3A_5], %broadcast_in_dim3A_3 {strides = array<i32>} : memref<8x16xi32, #tpu.memory_space<vmem>>, vector<16xi32>,
    %broadcast_in_dim3A_7 = arith.constant 0 : i32
    %broadcast_in_dim3A_8 = vector.broadcast %broadcast_in_dim3A_7 : i32 to vector<16xi32>
    %swap3A_9 = arith.constant 1 : i32
    %swap3A_10 = arith.index_cast %swap3A_9 : i32 to index
    %swap3A_11 = arith.constant 0 : index
    %swap3A_12 = tpu.vector_load %arg6[%swap3A_10, %swap3A_11] {strides = array<i32>} : memref<8x16xi32, #tpu.memory_space<vmem>>, vector<16xi32>,
    tpu.vector_store %arg6[%swap3A_10, %swap3A_11], %broadcast_in_dim3A_8 {strides = array<i32>} : memref<8x16xi32, #tpu.memory_space<vmem>>, vector<16xi32>,
    %broadcast_in_dim3A_13 = arith.constant 0 : i32
    %broadcast_in_dim3A_14 = vector.broadcast %broadcast_in_dim3A_13 : i32 to vector<16xi32>
    %swap3A_15 = arith.constant 2 : i32
    %swap3A_16 = arith.index_cast %swap3A_15 : i32 to index
    %swap3A_17 = arith.constant 0 : index
    %swap3A_18 = tpu.vector_load %arg6[%swap3A_16, %swap3A_17] {strides = array<i32>} : memref<8x16xi32, #tpu.memory_space<vmem>>, vector<16xi32>,
    tpu.vector_store %arg6[%swap3A_16, %swap3A_17], %broadcast_in_dim3A_14 {strides = array<i32>} : memref<8x16xi32, #tpu.memory_space<vmem>>, vector<16xi32>,
    %broadcast_in_dim3A_19 = arith.constant 0 : i32
    %broadcast_in_dim3A_20 = vector.broadcast %broadcast_in_dim3A_19 : i32 to vector<16xi32>
    %swap3A_21 = arith.constant 3 : i32
    %swap3A_22 = arith.index_cast %swap3A_21 : i32 to index
    %swap3A_23 = arith.constant 0 : index
    %swap3A_24 = tpu.vector_load %arg6[%swap3A_22, %swap3A_23] {strides = array<i32>} : memref<8x16xi32, #tpu.memory_space<vmem>>, vector<16xi32>,
    tpu.vector_store %arg6[%swap3A_22, %swap3A_23], %broadcast_in_dim3A_20 {strides = array<i32>} : memref<8x16xi32, #tpu.memory_space<vmem>>, vector<16xi32>,
    %broadcast_in_dim3A_25 = arith.constant 0 : i32
    %broadcast_in_dim3A_26 = vector.broadcast %broadcast_in_dim3A_25 : i32 to vector<16xi32>
    %swap3A_27 = arith.constant 4 : i32
    %swap3A_28 = arith.index_cast %swap3A_27 : i32 to index
    %swap3A_29 = arith.constant 0 : index
    %swap3A_30 = tpu.vector_load %arg6[%swap3A_28, %swap3A_29] {strides = array<i32>} : memref<8x16xi32, #tpu.memory_space<vmem>>, vector<16xi32>,
    tpu.vector_store %arg6[%swap3A_28, %swap3A_29], %broadcast_in_dim3A_26 {strides = array<i32>} : memref<8x16xi32, #tpu.memory_space<vmem>>, vector<16xi32>,
    %broadcast_in_dim3A_31 = arith.constant 0 : i32
    %broadcast_in_dim3A_32 = vector.broadcast %broadcast_in_dim3A_31 : i32 to vector<16xi32>
    %swap3A_33 = arith.constant 5 : i32
    %swap3A_34 = arith.index_cast %swap3A_33 : i32 to index
    %swap3A_35 = arith.constant 0 : index
    %swap3A_36 = tpu.vector_load %arg6[%swap3A_34, %swap3A_35] {strides = array<i32>} : memref<8x16xi32, #tpu.memory_space<vmem>>, vector<16xi32>,
    tpu.vector_store %arg6[%swap3A_34, %swap3A_35], %broadcast_in_dim3A_32 {strides = array<i32>} : memref<8x16xi32, #tpu.memory_space<vmem>>, vector<16xi32>,
    %broadcast_in_dim3A_37 = arith.constant 0 : i32
    %broadcast_in_dim3A_38 = vector.broadcast %broadcast_in_dim3A_37 : i32 to vector<16xi32>
    %swap3A_39 = arith.constant 6 : i32
    %swap3A_40 = arith.index_cast %swap3A_39 : i32 to index
    %swap3A_41 = arith.constant 0 : index
    %swap3A_42 = tpu.vector_load %arg6[%swap3A_40, %swap3A_41] {strides = array<i32>} : memref<8x16xi32, #tpu.memory_space<vmem>>, vector<16xi32>,
    tpu.vector_store %arg6[%swap3A_40, %swap3A_41], %broadcast_in_dim3A_38 {strides = array<i32>} : memref<8x16xi32, #tpu.memory_space<vmem>>, vector<16xi32>,
    %broadcast_in_dim3A_43 = arith.constant 0 : i32
    %broadcast_in_dim3A_44 = vector.broadcast %broadcast_in_dim3A_43 : i32 to vector<16xi32>
    %swap3A_45 = arith.constant 7 : i32
    %swap3A_46 = arith.index_cast %swap3A_45 : i32 to index
    %swap3A_47 = arith.constant 0 : index
    %swap3A_48 = tpu.vector_load %arg6[%swap3A_46, %swap3A_47] {strides = array<i32>} : memref<8x16xi32, #tpu.memory_space<vmem>>, vector<16xi32>,
    tpu.vector_store %arg6[%swap3A_46, %swap3A_47], %broadcast_in_dim3A_44 {strides = array<i32>} : memref<8x16xi32, #tpu.memory_space<vmem>>, vector<16xi32>,
    %barrier3A = arith.constant 0 : index
    tpu.barrier barrier_id(%barrier3A)
    %broadcast_in_dim3A_49 = arith.constant 1 : i32
    %broadcast_in_dim3A_50 = vector.broadcast %broadcast_in_dim3A_49 : i32 to vector<16xi32>
    %broadcast_in_dim3A_51 = arith.constant 0 : i32
    %broadcast_in_dim3A_52 = vector.broadcast %broadcast_in_dim3A_51 : i32 to vector<16xi32>
    %scan3A = arith.constant 0 : i32
    %scan3A_53 = arith.constant 0 : i32
    %scan3A_54 = arith.constant 256 : i32
    %scan3A_55 = arith.addi %scan3A_53, %scan3A_54 : i32
    %scan3A_56 = arith.constant 1 : i32
    scf.for %scan3A_174 = %scan3A_53 to %scan3A_55 step %scan3A_56  : i32 {
      %mul3A_175 = arith.constant 16 : i32
      %mul3A_176 = arith.muli %scan3A_174, %mul3A_175 : i32
      %get3A_177 = arith.index_cast %mul3A_176 : i32 to index
      %get3A_178 = tpu.vector_load %arg5[%get3A_177] {strides = array<i32>} : memref<4096xi32, #tpu.memory_space<vmem>>, vector<16xi32>,
      %get3A_179 = arith.constant 0 : i32
      %get3A_180 = arith.index_cast %get3A_179 : i32 to index
      %get3A_181 = arith.constant 0 : index
      %get3A_182 = tpu.vector_load %arg6[%get3A_180, %get3A_181] {strides = array<i32>} : memref<8x16xi32, #tpu.memory_space<vmem>>, vector<16xi32>,
      %eq3A_183 = arith.constant 0 : i32
      %eq3A_184 = vector.broadcast %eq3A_183 : i32 to vector<16xi32>
      %eq3A_185 = arith.cmpi eq, %get3A_178, %eq3A_184 : vector<16xi32>
      %select_n3A = arith.select %eq3A_185, %broadcast_in_dim3A_50, %broadcast_in_dim3A_52 : vector<16xi1>, vector<16xi32>
      %add3A = arith.addi %get3A_182, %select_n3A : vector<16xi32>
      %swap3A_186 = arith.constant 0 : i32
      %swap3A_187 = arith.index_cast %swap3A_186 : i32 to index
      %swap3A_188 = arith.constant 0 : index
      %swap3A_189 = tpu.vector_load %arg6[%swap3A_187, %swap3A_188] {strides = array<i32>} : memref<8x16xi32, #tpu.memory_space<vmem>>, vector<16xi32>,
      tpu.vector_store %arg6[%swap3A_187, %swap3A_188], %add3A {strides = array<i32>} : memref<8x16xi32, #tpu.memory_space<vmem>>, vector<16xi32>,
      %get3A_190 = arith.constant 1 : i32
      %get3A_191 = arith.index_cast %get3A_190 : i32 to index
      %get3A_192 = arith.constant 0 : index
      %get3A_193 = tpu.vector_load %arg6[%get3A_191, %get3A_192] {strides = array<i32>} : memref<8x16xi32, #tpu.memory_space<vmem>>, vector<16xi32>,
      %eq3A_194 = arith.constant 1 : i32
      %eq3A_195 = vector.broadcast %eq3A_194 : i32 to vector<16xi32>
      %eq3A_196 = arith.cmpi eq, %get3A_178, %eq3A_195 : vector<16xi32>
      %select_n3A_197 = arith.select %eq3A_196, %broadcast_in_dim3A_50, %broadcast_in_dim3A_52 : vector<16xi1>, vector<16xi32>
      %add3A_198 = arith.addi %get3A_193, %select_n3A_197 : vector<16xi32>
      %swap3A_199 = arith.constant 1 : i32
      %swap3A_200 = arith.index_cast %swap3A_199 : i32 to index
      %swap3A_201 = arith.constant 0 : index
      %swap3A_202 = tpu.vector_load %arg6[%swap3A_200, %swap3A_201] {strides = array<i32>} : memref<8x16xi32, #tpu.memory_space<vmem>>, vector<16xi32>,
      tpu.vector_store %arg6[%swap3A_200, %swap3A_201], %add3A_198 {strides = array<i32>} : memref<8x16xi32, #tpu.memory_space<vmem>>, vector<16xi32>,
      %get3A_203 = arith.constant 2 : i32
      %get3A_204 = arith.index_cast %get3A_203 : i32 to index
      %get3A_205 = arith.constant 0 : index
      %get3A_206 = tpu.vector_load %arg6[%get3A_204, %get3A_205] {strides = array<i32>} : memref<8x16xi32, #tpu.memory_space<vmem>>, vector<16xi32>,
      %eq3A_207 = arith.constant 2 : i32
      %eq3A_208 = vector.broadcast %eq3A_207 : i32 to vector<16xi32>
      %eq3A_209 = arith.cmpi eq, %get3A_178, %eq3A_208 : vector<16xi32>
      %select_n3A_210 = arith.select %eq3A_209, %broadcast_in_dim3A_50, %broadcast_in_dim3A_52 : vector<16xi1>, vector<16xi32>
      %add3A_211 = arith.addi %get3A_206, %select_n3A_210 : vector<16xi32>
      %swap3A_212 = arith.constant 2 : i32
      %swap3A_213 = arith.index_cast %swap3A_212 : i32 to index
      %swap3A_214 = arith.constant 0 : index
      %swap3A_215 = tpu.vector_load %arg6[%swap3A_213, %swap3A_214] {strides = array<i32>} : memref<8x16xi32, #tpu.memory_space<vmem>>, vector<16xi32>,
      tpu.vector_store %arg6[%swap3A_213, %swap3A_214], %add3A_211 {strides = array<i32>} : memref<8x16xi32, #tpu.memory_space<vmem>>, vector<16xi32>,
      %get3A_216 = arith.constant 3 : i32
      %get3A_217 = arith.index_cast %get3A_216 : i32 to index
      %get3A_218 = arith.constant 0 : index
      %get3A_219 = tpu.vector_load %arg6[%get3A_217, %get3A_218] {strides = array<i32>} : memref<8x16xi32, #tpu.memory_space<vmem>>, vector<16xi32>,
      %eq3A_220 = arith.constant 3 : i32
      %eq3A_221 = vector.broadcast %eq3A_220 : i32 to vector<16xi32>
      %eq3A_222 = arith.cmpi eq, %get3A_178, %eq3A_221 : vector<16xi32>
      %select_n3A_223 = arith.select %eq3A_222, %broadcast_in_dim3A_50, %broadcast_in_dim3A_52 : vector<16xi1>, vector<16xi32>
      %add3A_224 = arith.addi %get3A_219, %select_n3A_223 : vector<16xi32>
      %swap3A_225 = arith.constant 3 : i32
      %swap3A_226 = arith.index_cast %swap3A_225 : i32 to index
      %swap3A_227 = arith.constant 0 : index
      %swap3A_228 = tpu.vector_load %arg6[%swap3A_226, %swap3A_227] {strides = array<i32>} : memref<8x16xi32, #tpu.memory_space<vmem>>, vector<16xi32>,
      tpu.vector_store %arg6[%swap3A_226, %swap3A_227], %add3A_224 {strides = array<i32>} : memref<8x16xi32, #tpu.memory_space<vmem>>, vector<16xi32>,
      %get3A_229 = arith.constant 4 : i32
      %get3A_230 = arith.index_cast %get3A_229 : i32 to index
      %get3A_231 = arith.constant 0 : index
      %get3A_232 = tpu.vector_load %arg6[%get3A_230, %get3A_231] {strides = array<i32>} : memref<8x16xi32, #tpu.memory_space<vmem>>, vector<16xi32>,
      %eq3A_233 = arith.constant 4 : i32
      %eq3A_234 = vector.broadcast %eq3A_233 : i32 to vector<16xi32>
      %eq3A_235 = arith.cmpi eq, %get3A_178, %eq3A_234 : vector<16xi32>
      %select_n3A_236 = arith.select %eq3A_235, %broadcast_in_dim3A_50, %broadcast_in_dim3A_52 : vector<16xi1>, vector<16xi32>
      %add3A_237 = arith.addi %get3A_232, %select_n3A_236 : vector<16xi32>
      %swap3A_238 = arith.constant 4 : i32
      %swap3A_239 = arith.index_cast %swap3A_238 : i32 to index
      %swap3A_240 = arith.constant 0 : index
      %swap3A_241 = tpu.vector_load %arg6[%swap3A_239, %swap3A_240] {strides = array<i32>} : memref<8x16xi32, #tpu.memory_space<vmem>>, vector<16xi32>,
      tpu.vector_store %arg6[%swap3A_239, %swap3A_240], %add3A_237 {strides = array<i32>} : memref<8x16xi32, #tpu.memory_space<vmem>>, vector<16xi32>,
      %get3A_242 = arith.constant 5 : i32
      %get3A_243 = arith.index_cast %get3A_242 : i32 to index
      %get3A_244 = arith.constant 0 : index
      %get3A_245 = tpu.vector_load %arg6[%get3A_243, %get3A_244] {strides = array<i32>} : memref<8x16xi32, #tpu.memory_space<vmem>>, vector<16xi32>,
      %eq3A_246 = arith.constant 5 : i32
      %eq3A_247 = vector.broadcast %eq3A_246 : i32 to vector<16xi32>
      %eq3A_248 = arith.cmpi eq, %get3A_178, %eq3A_247 : vector<16xi32>
      %select_n3A_249 = arith.select %eq3A_248, %broadcast_in_dim3A_50, %broadcast_in_dim3A_52 : vector<16xi1>, vector<16xi32>
      %add3A_250 = arith.addi %get3A_245, %select_n3A_249 : vector<16xi32>
      %swap3A_251 = arith.constant 5 : i32
      %swap3A_252 = arith.index_cast %swap3A_251 : i32 to index
      %swap3A_253 = arith.constant 0 : index
      %swap3A_254 = tpu.vector_load %arg6[%swap3A_252, %swap3A_253] {strides = array<i32>} : memref<8x16xi32, #tpu.memory_space<vmem>>, vector<16xi32>,
      tpu.vector_store %arg6[%swap3A_252, %swap3A_253], %add3A_250 {strides = array<i32>} : memref<8x16xi32, #tpu.memory_space<vmem>>, vector<16xi32>,
      %get3A_255 = arith.constant 6 : i32
      %get3A_256 = arith.index_cast %get3A_255 : i32 to index
      %get3A_257 = arith.constant 0 : index
      %get3A_258 = tpu.vector_load %arg6[%get3A_256, %get3A_257] {strides = array<i32>} : memref<8x16xi32, #tpu.memory_space<vmem>>, vector<16xi32>,
      %eq3A_259 = arith.constant 6 : i32
      %eq3A_260 = vector.broadcast %eq3A_259 : i32 to vector<16xi32>
      %eq3A_261 = arith.cmpi eq, %get3A_178, %eq3A_260 : vector<16xi32>
      %select_n3A_262 = arith.select %eq3A_261, %broadcast_in_dim3A_50, %broadcast_in_dim3A_52 : vector<16xi1>, vector<16xi32>
      %add3A_263 = arith.addi %get3A_258, %select_n3A_262 : vector<16xi32>
      %swap3A_264 = arith.constant 6 : i32
      %swap3A_265 = arith.index_cast %swap3A_264 : i32 to index
      %swap3A_266 = arith.constant 0 : index
      %swap3A_267 = tpu.vector_load %arg6[%swap3A_265, %swap3A_266] {strides = array<i32>} : memref<8x16xi32, #tpu.memory_space<vmem>>, vector<16xi32>,
      tpu.vector_store %arg6[%swap3A_265, %swap3A_266], %add3A_263 {strides = array<i32>} : memref<8x16xi32, #tpu.memory_space<vmem>>, vector<16xi32>,
      %get3A_268 = arith.constant 7 : i32
      %get3A_269 = arith.index_cast %get3A_268 : i32 to index
      %get3A_270 = arith.constant 0 : index
      %get3A_271 = tpu.vector_load %arg6[%get3A_269, %get3A_270] {strides = array<i32>} : memref<8x16xi32, #tpu.memory_space<vmem>>, vector<16xi32>,
      %eq3A_272 = arith.constant 7 : i32
      %eq3A_273 = vector.broadcast %eq3A_272 : i32 to vector<16xi32>
      %eq3A_274 = arith.cmpi eq, %get3A_178, %eq3A_273 : vector<16xi32>
      %select_n3A_275 = arith.select %eq3A_274, %broadcast_in_dim3A_50, %broadcast_in_dim3A_52 : vector<16xi1>, vector<16xi32>
      %add3A_276 = arith.addi %get3A_271, %select_n3A_275 : vector<16xi32>
      %swap3A_277 = arith.constant 7 : i32
      %swap3A_278 = arith.index_cast %swap3A_277 : i32 to index
      %swap3A_279 = arith.constant 0 : index
      %swap3A_280 = tpu.vector_load %arg6[%swap3A_278, %swap3A_279] {strides = array<i32>} : memref<8x16xi32, #tpu.memory_space<vmem>>, vector<16xi32>,
      tpu.vector_store %arg6[%swap3A_278, %swap3A_279], %add3A_276 {strides = array<i32>} : memref<8x16xi32, #tpu.memory_space<vmem>>, vector<16xi32>,
    }
    %scan3A_57 = arith.constant 256 : i32
    %broadcast_in_dim3A_58 = arith.constant 0.000000e+00 : f32
    %broadcast_in_dim3A_59 = vector.broadcast %broadcast_in_dim3A_58 : f32 to vector<16xf32>
    %swap3A_60 = arith.constant 0 : index
    %swap3A_61 = tpu.vector_load %arg7[%swap3A_60] {strides = array<i32>} : memref<16xf32, #tpu.memory_space<vmem>>, vector<16xf32>,
    tpu.vector_store %arg7[%swap3A_60], %broadcast_in_dim3A_59 {strides = array<i32>} : memref<16xf32, #tpu.memory_space<vmem>>, vector<16xf32>,
    %get3A = arith.constant 0 : i32
    %get3A_62 = arith.index_cast %get3A : i32 to index
    %get3A_63 = arith.constant 0 : index
    %get3A_64 = tpu.vector_load %arg6[%get3A_62, %get3A_63] {strides = array<i32>} : memref<8x16xi32, #tpu.memory_space<vmem>>, vector<16xi32>,
    %convert_element_type3A_65 = arith.sitofp %get3A_64 : vector<16xi32> to vector<16xf32>
    %broadcast_in_dim3A_66 = arith.constant true
    %broadcast_in_dim3A_67 = vector.broadcast %broadcast_in_dim3A_66 : i1 to vector<16xi1>
    %masked_cumsum3A = tpu.scan <sum>, %convert_element_type3A_65 masked %broadcast_in_dim3A_67 : vector<16xf32>, vector<16xi1> -> vector<16xf32>
    %broadcast_in_dim3A_68 = arith.constant 0 : i32
    %broadcast_in_dim3A_69 = vector.broadcast %broadcast_in_dim3A_68 : i32 to vector<16xi32>
    %eq3A_70 = arith.constant 15 : i32
    %eq3A_71 = vector.broadcast %eq3A_70 : i32 to vector<16xi32>
    %eq3A_72 = arith.cmpi eq, %iota3A, %eq3A_71 : vector<16xi32>
    tpu.vector_store_idx %arg7[%broadcast_in_dim3A_69], %masked_cumsum3A masked %eq3A_72 : memref<16xf32, #tpu.memory_space<vmem>>[vector<16xi32>], vector<16xf32>, vector<16xi1>
    %get3A_73 = arith.constant 1 : i32
    %get3A_74 = arith.index_cast %get3A_73 : i32 to index
    %get3A_75 = arith.constant 0 : index
    %get3A_76 = tpu.vector_load %arg6[%get3A_74, %get3A_75] {strides = array<i32>} : memref<8x16xi32, #tpu.memory_space<vmem>>, vector<16xi32>,
    %convert_element_type3A_77 = arith.sitofp %get3A_76 : vector<16xi32> to vector<16xf32>
    %broadcast_in_dim3A_78 = arith.constant true
    %broadcast_in_dim3A_79 = vector.broadcast %broadcast_in_dim3A_78 : i1 to vector<16xi1>
    %masked_cumsum3A_80 = tpu.scan <sum>, %convert_element_type3A_77 masked %broadcast_in_dim3A_79 : vector<16xf32>, vector<16xi1> -> vector<16xf32>
    %broadcast_in_dim3A_81 = arith.constant 1 : i32
    %broadcast_in_dim3A_82 = vector.broadcast %broadcast_in_dim3A_81 : i32 to vector<16xi32>
    %eq3A_83 = arith.constant 15 : i32
    %eq3A_84 = vector.broadcast %eq3A_83 : i32 to vector<16xi32>
    %eq3A_85 = arith.cmpi eq, %iota3A, %eq3A_84 : vector<16xi32>
    tpu.vector_store_idx %arg7[%broadcast_in_dim3A_82], %masked_cumsum3A_80 masked %eq3A_85 : memref<16xf32, #tpu.memory_space<vmem>>[vector<16xi32>], vector<16xf32>, vector<16xi1>
    %get3A_86 = arith.constant 2 : i32
    %get3A_87 = arith.index_cast %get3A_86 : i32 to index
    %get3A_88 = arith.constant 0 : index
    %get3A_89 = tpu.vector_load %arg6[%get3A_87, %get3A_88] {strides = array<i32>} : memref<8x16xi32, #tpu.memory_space<vmem>>, vector<16xi32>,
    %convert_element_type3A_90 = arith.sitofp %get3A_89 : vector<16xi32> to vector<16xf32>
    %broadcast_in_dim3A_91 = arith.constant true
    %broadcast_in_dim3A_92 = vector.broadcast %broadcast_in_dim3A_91 : i1 to vector<16xi1>
    %masked_cumsum3A_93 = tpu.scan <sum>, %convert_element_type3A_90 masked %broadcast_in_dim3A_92 : vector<16xf32>, vector<16xi1> -> vector<16xf32>
    %broadcast_in_dim3A_94 = arith.constant 2 : i32
    %broadcast_in_dim3A_95 = vector.broadcast %broadcast_in_dim3A_94 : i32 to vector<16xi32>
    %eq3A_96 = arith.constant 15 : i32
    %eq3A_97 = vector.broadcast %eq3A_96 : i32 to vector<16xi32>
    %eq3A_98 = arith.cmpi eq, %iota3A, %eq3A_97 : vector<16xi32>
    tpu.vector_store_idx %arg7[%broadcast_in_dim3A_95], %masked_cumsum3A_93 masked %eq3A_98 : memref<16xf32, #tpu.memory_space<vmem>>[vector<16xi32>], vector<16xf32>, vector<16xi1>
    %get3A_99 = arith.constant 3 : i32
    %get3A_100 = arith.index_cast %get3A_99 : i32 to index
    %get3A_101 = arith.constant 0 : index
    %get3A_102 = tpu.vector_load %arg6[%get3A_100, %get3A_101] {strides = array<i32>} : memref<8x16xi32, #tpu.memory_space<vmem>>, vector<16xi32>,
    %convert_element_type3A_103 = arith.sitofp %get3A_102 : vector<16xi32> to vector<16xf32>
    %broadcast_in_dim3A_104 = arith.constant true
    %broadcast_in_dim3A_105 = vector.broadcast %broadcast_in_dim3A_104 : i1 to vector<16xi1>
    %masked_cumsum3A_106 = tpu.scan <sum>, %convert_element_type3A_103 masked %broadcast_in_dim3A_105 : vector<16xf32>, vector<16xi1> -> vector<16xf32>
    %broadcast_in_dim3A_107 = arith.constant 3 : i32
    %broadcast_in_dim3A_108 = vector.broadcast %broadcast_in_dim3A_107 : i32 to vector<16xi32>
    %eq3A_109 = arith.constant 15 : i32
    %eq3A_110 = vector.broadcast %eq3A_109 : i32 to vector<16xi32>
    %eq3A_111 = arith.cmpi eq, %iota3A, %eq3A_110 : vector<16xi32>
    tpu.vector_store_idx %arg7[%broadcast_in_dim3A_108], %masked_cumsum3A_106 masked %eq3A_111 : memref<16xf32, #tpu.memory_space<vmem>>[vector<16xi32>], vector<16xf32>, vector<16xi1>
    %get3A_112 = arith.constant 4 : i32
    %get3A_113 = arith.index_cast %get3A_112 : i32 to index
    %get3A_114 = arith.constant 0 : index
    %get3A_115 = tpu.vector_load %arg6[%get3A_113, %get3A_114] {strides = array<i32>} : memref<8x16xi32, #tpu.memory_space<vmem>>, vector<16xi32>,
    %convert_element_type3A_116 = arith.sitofp %get3A_115 : vector<16xi32> to vector<16xf32>
    %broadcast_in_dim3A_117 = arith.constant true
    %broadcast_in_dim3A_118 = vector.broadcast %broadcast_in_dim3A_117 : i1 to vector<16xi1>
    %masked_cumsum3A_119 = tpu.scan <sum>, %convert_element_type3A_116 masked %broadcast_in_dim3A_118 : vector<16xf32>, vector<16xi1> -> vector<16xf32>
    %broadcast_in_dim3A_120 = arith.constant 4 : i32
    %broadcast_in_dim3A_121 = vector.broadcast %broadcast_in_dim3A_120 : i32 to vector<16xi32>
    %eq3A_122 = arith.constant 15 : i32
    %eq3A_123 = vector.broadcast %eq3A_122 : i32 to vector<16xi32>
    %eq3A_124 = arith.cmpi eq, %iota3A, %eq3A_123 : vector<16xi32>
    tpu.vector_store_idx %arg7[%broadcast_in_dim3A_121], %masked_cumsum3A_119 masked %eq3A_124 : memref<16xf32, #tpu.memory_space<vmem>>[vector<16xi32>], vector<16xf32>, vector<16xi1>
    %get3A_125 = arith.constant 5 : i32
    %get3A_126 = arith.index_cast %get3A_125 : i32 to index
    %get3A_127 = arith.constant 0 : index
    %get3A_128 = tpu.vector_load %arg6[%get3A_126, %get3A_127] {strides = array<i32>} : memref<8x16xi32, #tpu.memory_space<vmem>>, vector<16xi32>,
    %convert_element_type3A_129 = arith.sitofp %get3A_128 : vector<16xi32> to vector<16xf32>
    %broadcast_in_dim3A_130 = arith.constant true
    %broadcast_in_dim3A_131 = vector.broadcast %broadcast_in_dim3A_130 : i1 to vector<16xi1>
    %masked_cumsum3A_132 = tpu.scan <sum>, %convert_element_type3A_129 masked %broadcast_in_dim3A_131 : vector<16xf32>, vector<16xi1> -> vector<16xf32>
    %broadcast_in_dim3A_133 = arith.constant 5 : i32
    %broadcast_in_dim3A_134 = vector.broadcast %broadcast_in_dim3A_133 : i32 to vector<16xi32>
    %eq3A_135 = arith.constant 15 : i32
    %eq3A_136 = vector.broadcast %eq3A_135 : i32 to vector<16xi32>
    %eq3A_137 = arith.cmpi eq, %iota3A, %eq3A_136 : vector<16xi32>
    tpu.vector_store_idx %arg7[%broadcast_in_dim3A_134], %masked_cumsum3A_132 masked %eq3A_137 : memref<16xf32, #tpu.memory_space<vmem>>[vector<16xi32>], vector<16xf32>, vector<16xi1>
    %get3A_138 = arith.constant 6 : i32
    %get3A_139 = arith.index_cast %get3A_138 : i32 to index
    %get3A_140 = arith.constant 0 : index
    %get3A_141 = tpu.vector_load %arg6[%get3A_139, %get3A_140] {strides = array<i32>} : memref<8x16xi32, #tpu.memory_space<vmem>>, vector<16xi32>,
    %convert_element_type3A_142 = arith.sitofp %get3A_141 : vector<16xi32> to vector<16xf32>
    %broadcast_in_dim3A_143 = arith.constant true
    %broadcast_in_dim3A_144 = vector.broadcast %broadcast_in_dim3A_143 : i1 to vector<16xi1>
    %masked_cumsum3A_145 = tpu.scan <sum>, %convert_element_type3A_142 masked %broadcast_in_dim3A_144 : vector<16xf32>, vector<16xi1> -> vector<16xf32>
    %broadcast_in_dim3A_146 = arith.constant 6 : i32
    %broadcast_in_dim3A_147 = vector.broadcast %broadcast_in_dim3A_146 : i32 to vector<16xi32>
    %eq3A_148 = arith.constant 15 : i32
    %eq3A_149 = vector.broadcast %eq3A_148 : i32 to vector<16xi32>
    %eq3A_150 = arith.cmpi eq, %iota3A, %eq3A_149 : vector<16xi32>
    tpu.vector_store_idx %arg7[%broadcast_in_dim3A_147], %masked_cumsum3A_145 masked %eq3A_150 : memref<16xf32, #tpu.memory_space<vmem>>[vector<16xi32>], vector<16xf32>, vector<16xi1>
    %get3A_151 = arith.constant 7 : i32
    %get3A_152 = arith.index_cast %get3A_151 : i32 to index
    %get3A_153 = arith.constant 0 : index
    %get3A_154 = tpu.vector_load %arg6[%get3A_152, %get3A_153] {strides = array<i32>} : memref<8x16xi32, #tpu.memory_space<vmem>>, vector<16xi32>,
    %convert_element_type3A_155 = arith.sitofp %get3A_154 : vector<16xi32> to vector<16xf32>
    %broadcast_in_dim3A_156 = arith.constant true
    %broadcast_in_dim3A_157 = vector.broadcast %broadcast_in_dim3A_156 : i1 to vector<16xi1>
    %masked_cumsum3A_158 = tpu.scan <sum>, %convert_element_type3A_155 masked %broadcast_in_dim3A_157 : vector<16xf32>, vector<16xi1> -> vector<16xf32>
    %broadcast_in_dim3A_159 = arith.constant 7 : i32
    %broadcast_in_dim3A_160 = vector.broadcast %broadcast_in_dim3A_159 : i32 to vector<16xi32>
    %eq3A_161 = arith.constant 15 : i32
    %eq3A_162 = vector.broadcast %eq3A_161 : i32 to vector<16xi32>
    %eq3A_163 = arith.cmpi eq, %iota3A, %eq3A_162 : vector<16xi32>
    tpu.vector_store_idx %arg7[%broadcast_in_dim3A_160], %masked_cumsum3A_158 masked %eq3A_163 : memref<16xf32, #tpu.memory_space<vmem>>[vector<16xi32>], vector<16xf32>, vector<16xi1>
    %swap3A_164 = arith.constant 0 : index
    %swap3A_165 = tpu.vector_load %arg8[%swap3A_164] {strides = array<i32>} : memref<16xi32, #tpu.memory_space<vmem>>, vector<16xi32>,
    tpu.vector_store %arg8[%swap3A_164], %iota3A {strides = array<i32>} : memref<16xi32, #tpu.memory_space<vmem>>, vector<16xi32>,
    "tpu.region"() ({
      %run_scoped3A = tpu.sem_alloc : memref<!tpu.dma_semaphore, #tpu.memory_space<semaphore_mem>>
      %dma_start3A = arith.constant 0 : i32
      %dma_start3A_174 = tpu.memref_slice %arg12[%dma_start3A] : memref<16xf32, #tpu.memory_space<vmem_shared>> -> memref<16xf32, #tpu.memory_space<vmem_shared>>
      tpu.enqueue_indirect_dma source(%arg7 : memref<16xf32, #tpu.memory_space<vmem>>) target(%dma_start3A_174 : memref<16xf32, #tpu.memory_space<vmem_shared>>) offsets(%arg8 : memref<16xi32, #tpu.memory_space<vmem>>) semaphore(%run_scoped3A : memref<!tpu.dma_semaphore, #tpu.memory_space<semaphore_mem>>) {add = true}
      %dma_wait3A = arith.constant 0 : i32
      %dma_wait3A_175 = tpu.memref_slice %arg12[%dma_wait3A] : memref<16xf32, #tpu.memory_space<vmem_shared>> -> memref<16xf32, #tpu.memory_space<vmem_shared>>
      tpu.wait_indirect_dma semaphore(%run_scoped3A : memref<!tpu.dma_semaphore, #tpu.memory_space<semaphore_mem>>) src(%arg7 : memref<16xf32, #tpu.memory_space<vmem>>) dst(%dma_wait3A_175 : memref<16xf32, #tpu.memory_space<vmem_shared>>)
      tpu.yield
    }) : () -> ()
    %barrier3A_166 = arith.constant 0 : index
    tpu.barrier barrier_id(%barrier3A_166)
    %eq3A_167 = arith.constant 0 : i32
    %eq3A_168 = arith.cmpi eq, %arg0, %eq3A_167 : i32
    %eq3A_169 = arith.constant 0 : i32
    %eq3A_170 = arith.cmpi eq, %arg1, %eq3A_169 : i32
    %and3A = arith.andi %eq3A_168, %eq3A_170 : i1
    %convert_element_type3A_171 = arith.extui %and3A : i1 to i32
    %cond3A_172 = arith.constant 0 : i32
    %cond3A_173 = arith.cmpi ne, %convert_element_type3A_171, %cond3A_172 : i32
    scf.if %cond3A_173 {
      %broadcast_in_dim3A_174 = arith.constant 0.000000e+00 : f32
      %broadcast_in_dim3A_175 = vector.broadcast %broadcast_in_dim3A_174 : f32 to vector<16xf32>
      %swap3A_176 = arith.constant 0 : index
      %swap3A_177 = tpu.vector_load %arg10[%swap3A_176] {strides = array<i32>} : memref<16xf32, #tpu.memory_space<vmem>>, vector<16xf32>,
      tpu.vector_store %arg10[%swap3A_176], %broadcast_in_dim3A_175 {strides = array<i32>} : memref<16xf32, #tpu.memory_space<vmem>>, vector<16xf32>,
      "tpu.region"() ({
        %run_scoped3A = tpu.sem_alloc : memref<!tpu.dma_semaphore, #tpu.memory_space<semaphore_mem>>
        %dma_start3A = arith.constant 0 : i32
        %dma_start3A_192 = tpu.memref_slice %arg10[%dma_start3A] : memref<16xf32, #tpu.memory_space<vmem>> -> memref<8xf32, #tpu.memory_space<vmem>>
        %dma_start3A_193 = arith.constant 0 : i32
        %dma_start3A_194 = tpu.memref_slice %arg10[%dma_start3A_193] : memref<16xf32, #tpu.memory_space<vmem>> -> memref<8xf32, #tpu.memory_space<vmem>>
        tpu.enqueue_dma source(%arg3 : memref<8xf32, #tpu.memory_space<hbm>>) target(%dma_start3A_194 : memref<8xf32, #tpu.memory_space<vmem>>) target_semaphore(%run_scoped3A : memref<!tpu.dma_semaphore, #tpu.memory_space<semaphore_mem>>)
        %dma_wait3A = arith.constant 0 : i32
        %dma_wait3A_195 = tpu.memref_slice %arg10[%dma_wait3A] : memref<16xf32, #tpu.memory_space<vmem>> -> memref<8xf32, #tpu.memory_space<vmem>>
        %dma_wait3A_196 = arith.constant 0 : i32
        %dma_wait3A_197 = tpu.memref_slice %arg10[%dma_wait3A_196] : memref<16xf32, #tpu.memory_space<vmem>> -> memref<8xf32, #tpu.memory_space<vmem>>
        tpu.wait_dma2 semaphore(%run_scoped3A : memref<!tpu.dma_semaphore, #tpu.memory_space<semaphore_mem>>) src(%arg3 : memref<8xf32, #tpu.memory_space<hbm>>) dst(%dma_wait3A_197 : memref<8xf32, #tpu.memory_space<vmem>>)
        tpu.yield
      }) : () -> ()
      "tpu.region"() ({
        %run_scoped3A = tpu.sem_alloc : memref<!tpu.dma_semaphore, #tpu.memory_space<semaphore_mem>>
        tpu.enqueue_dma source(%arg12 : memref<16xf32, #tpu.memory_space<vmem_shared>>) target(%arg7 : memref<16xf32, #tpu.memory_space<vmem>>) target_semaphore(%run_scoped3A : memref<!tpu.dma_semaphore, #tpu.memory_space<semaphore_mem>>)
        tpu.wait_dma2 semaphore(%run_scoped3A : memref<!tpu.dma_semaphore, #tpu.memory_space<semaphore_mem>>) src(%arg12 : memref<16xf32, #tpu.memory_space<vmem_shared>>) dst(%arg7 : memref<16xf32, #tpu.memory_space<vmem>>)
        tpu.yield
      }) : () -> ()
      %div3A = arith.constant 8.000000e+00 : f32
      %div3A_178 = arith.constant 1.07374182E+9 : f32
      %div3A_179 = arith.divf %div3A, %div3A_178 : f32
      %get3A_180 = arith.constant 0 : index
      %get3A_181 = tpu.vector_load %arg7[%get3A_180] {strides = array<i32>} : memref<16xf32, #tpu.memory_space<vmem>>, vector<16xf32>,
      %get3A_182 = arith.constant 0 : index
      %get3A_183 = tpu.vector_load %arg10[%get3A_182] {strides = array<i32>} : memref<16xf32, #tpu.memory_space<vmem>>, vector<16xf32>,
      %mul3A_184 = arith.mulf %get3A_181, %get3A_183 : vector<16xf32>
      %mul3A_185 = vector.broadcast %div3A_179 : f32 to vector<16xf32>
      %mul3A_186 = arith.mulf %mul3A_184, %mul3A_185 : vector<16xf32>
      %broadcast_in_dim3A_187 = arith.constant true
      %broadcast_in_dim3A_188 = vector.broadcast %broadcast_in_dim3A_187 : i1 to vector<16xi1>
      %masked_cumsum3A_189 = tpu.scan <sum>, %mul3A_186 masked %broadcast_in_dim3A_188 : vector<16xf32>, vector<16xi1> -> vector<16xf32>
      %swap3A_190 = arith.constant 0 : index
      %swap3A_191 = tpu.vector_load %arg11[%swap3A_190] {strides = array<i32>} : memref<16xf32, #tpu.memory_space<vmem>>, vector<16xf32>,
      tpu.vector_store %arg11[%swap3A_190], %masked_cumsum3A_189 {strides = array<i32>} : memref<16xf32, #tpu.memory_space<vmem>>, vector<16xf32>,
      "tpu.region"() ({
        %run_scoped3A = tpu.sem_alloc : memref<!tpu.dma_semaphore, #tpu.memory_space<semaphore_mem>>
        tpu.enqueue_dma source(%arg11 : memref<16xf32, #tpu.memory_space<vmem>>) target(%arg4 : memref<16xf32, #tpu.memory_space<hbm>>) target_semaphore(%run_scoped3A : memref<!tpu.dma_semaphore, #tpu.memory_space<semaphore_mem>>)
        tpu.wait_dma2 semaphore(%run_scoped3A : memref<!tpu.dma_semaphore, #tpu.memory_space<semaphore_mem>>) src(%arg11 : memref<16xf32, #tpu.memory_space<vmem>>) dst(%arg4 : memref<16xf32, #tpu.memory_space<hbm>>)
        tpu.yield
      }) : () -> ()
    } else {
    }
    return
  }
}

module attributes {stable_mosaic.version = 14 : i64} {
  func.func @_gate_kernel(%arg0: i32, %arg1: memref<4096x384xf32, #tpu.memory_space<vmem>>, %arg2: memref<4096x384xf32, #tpu.memory_space<vmem>>, %arg3: memref<768x8xf32, #tpu.memory_space<vmem>>, %arg4: memref<2x4096xf32, #tpu.memory_space<vmem>>, %arg5: memref<2x4096xi32, #tpu.memory_space<vmem>>, %arg6: memref<8x1xf32, #tpu.memory_space<vmem>>, %arg7: memref<8x1xf32, #tpu.memory_space<vmem>>) attributes {dimension_semantics = [#tpu.dimension_semantics<arbitrary>], iteration_bounds = array<i64: 8>, scalar_prefetch = 0 : i64, scratch_operands = 1 : i64, tpu.core_type = #tpu.core_type<tc>, window_params = [{transform_indices = @transform_0, window_bounds = array<i64: 4096, 384>}, {transform_indices = @transform_1, window_bounds = array<i64: 4096, 384>}, {pipeline_mode = #tpu.pipeline_mode<synchronous>, transform_indices = @transform_2, window_bounds = array<i64: 768, 8>}, {transform_indices = @transform_3, window_bounds = array<i64: 2, 4096>}, {transform_indices = @transform_4, window_bounds = array<i64: 2, 4096>}, {pipeline_mode = #tpu.pipeline_mode<synchronous>, transform_indices = @transform_5, window_bounds = array<i64: 8, 1>}]} {
    %eq3A = arith.constant 0 : i32
    %eq3A_0 = arith.cmpi eq, %arg0, %eq3A : i32
    %convert_element_type3A = arith.extui %eq3A_0 : i1 to i32
    %cond3A = arith.constant 0 : i32
    %cond3A_1 = arith.cmpi ne, %convert_element_type3A, %cond3A : i32
    scf.if %cond3A_1 {
      %broadcast_in_dim3A_73 = arith.constant 0.000000e+00 : f32
      %broadcast_in_dim3A_74 = vector.broadcast %broadcast_in_dim3A_73 : f32 to vector<8x1xf32>
      %swap3A_75 = arith.constant 0 : index
      %swap3A_76 = arith.constant 0 : index
      %swap3A_77 = vector.load %arg7[%swap3A_75, %swap3A_76] : memref<8x1xf32, #tpu.memory_space<vmem>>, vector<8x1xf32>
      tpu.vector_store %arg7[%swap3A_75, %swap3A_76], %broadcast_in_dim3A_74 {strides = array<i32>} : memref<8x1xf32, #tpu.memory_space<vmem>>, vector<8x1xf32>,
    } else {
    }
    %get3A = arith.constant 0 : index
    %get3A_2 = arith.constant 0 : index
    %get3A_3 = vector.load %arg1[%get3A, %get3A_2] : memref<4096x384xf32, #tpu.memory_space<vmem>>, vector<4096x384xf32>
    %get3A_4 = arith.constant 0 : index
    %get3A_5 = arith.constant 0 : index
    %get3A_6 = vector.load %arg3[%get3A_4, %get3A_5] : memref<768x8xf32, #tpu.memory_space<vmem>>, vector<384x8xf32>
    %dot_general3A = arith.constant dense<0.000000e+00> : vector<4096x8xf32>
    %dot_general3A_7 = tpu.matmul %get3A_3, %get3A_6, %dot_general3A {dimension_numbers = #tpu.dot_dimension_numbers<[1], [0], [0], [1], [0, 0, 1, 1], [], []>, transpose_lhs_hint = false} : vector<4096x384xf32>, vector<384x8xf32>, vector<4096x8xf32> -> vector<4096x8xf32>
    %get3A_8 = arith.constant 0 : index
    %get3A_9 = arith.constant 0 : index
    %get3A_10 = vector.load %arg2[%get3A_8, %get3A_9] : memref<4096x384xf32, #tpu.memory_space<vmem>>, vector<4096x384xf32>
    %get3A_11 = arith.constant 384 : index
    %get3A_12 = arith.constant 0 : index
    %get3A_13 = vector.load %arg3[%get3A_11, %get3A_12] : memref<768x8xf32, #tpu.memory_space<vmem>>, vector<384x8xf32>
    %dot_general3A_14 = arith.constant dense<0.000000e+00> : vector<4096x8xf32>
    %dot_general3A_15 = tpu.matmul %get3A_10, %get3A_13, %dot_general3A_14 {dimension_numbers = #tpu.dot_dimension_numbers<[1], [0], [0], [1], [0, 0, 1, 1], [], []>, transpose_lhs_hint = false} : vector<4096x384xf32>, vector<384x8xf32>, vector<4096x8xf32> -> vector<4096x8xf32>
    %add3A = arith.addf %dot_general3A_7, %dot_general3A_15 : vector<4096x8xf32>
    %transpose3A = tpu.transpose %add3A, [1, 0] : vector<4096x8xf32> -> vector<8x4096xf32>
    %iota3A = tpu.iota {dimensions = array<i32: 0>} : vector<8x4096xi32>
    %reduce_max3A = arith.constant dense<0xFF800000> : vector<4096xf32>
    %reduce_max3A_16 = vector.multi_reduction <maximumf>, %transpose3A, %reduce_max3A [0] : vector<8x4096xf32> to vector<4096xf32>
    %broadcast_in_dim3A = vector.shape_cast %reduce_max3A_16 : vector<4096xf32> to vector<1x4096xf32>
    %eq3A_17 = vector.broadcast %broadcast_in_dim3A : vector<1x4096xf32> to vector<8x4096xf32>
    %eq3A_18 = arith.cmpf oeq, %transpose3A, %eq3A_17 : vector<8x4096xf32>
    %jit3A = arith.constant 8 : i32
    %broadcast_in_dim3A_19 = vector.broadcast %jit3A : i32 to vector<8x4096xi32>
    %select_n3A = arith.select %eq3A_18, %iota3A, %broadcast_in_dim3A_19 : vector<8x4096xi1>, vector<8x4096xi32>
    %reduce_min3A = arith.constant dense<2147483647> : vector<4096xi32>
    %reduce_min3A_20 = vector.multi_reduction <minsi>, %select_n3A, %reduce_min3A [0] : vector<8x4096xi32> to vector<4096xi32>
    %broadcast_in_dim3A_21 = vector.shape_cast %reduce_min3A_20 : vector<4096xi32> to vector<1x4096xi32>
    %eq3A_22 = vector.broadcast %broadcast_in_dim3A_21 : vector<1x4096xi32> to vector<8x4096xi32>
    %eq3A_23 = arith.cmpi eq, %iota3A, %eq3A_22 : vector<8x4096xi32>
    %jit3A_24 = arith.constant 0xFF800000 : f32
    %broadcast_in_dim3A_25 = vector.broadcast %jit3A_24 : f32 to vector<8x4096xf32>
    %select_n3A_26 = arith.select %eq3A_23, %broadcast_in_dim3A_25, %transpose3A : vector<8x4096xi1>, vector<8x4096xf32>
    %reduce_max3A_27 = arith.constant dense<0xFF800000> : vector<4096xf32>
    %reduce_max3A_28 = vector.multi_reduction <maximumf>, %select_n3A_26, %reduce_max3A_27 [0] : vector<8x4096xf32> to vector<4096xf32>
    %broadcast_in_dim3A_29 = vector.shape_cast %reduce_max3A_28 : vector<4096xf32> to vector<1x4096xf32>
    %eq3A_30 = vector.broadcast %broadcast_in_dim3A_29 : vector<1x4096xf32> to vector<8x4096xf32>
    %eq3A_31 = arith.cmpf oeq, %select_n3A_26, %eq3A_30 : vector<8x4096xf32>
    %jit3A_32 = arith.constant 8 : i32
    %broadcast_in_dim3A_33 = vector.broadcast %jit3A_32 : i32 to vector<8x4096xi32>
    %select_n3A_34 = arith.select %eq3A_31, %iota3A, %broadcast_in_dim3A_33 : vector<8x4096xi1>, vector<8x4096xi32>
    %reduce_min3A_35 = arith.constant dense<2147483647> : vector<4096xi32>
    %reduce_min3A_36 = vector.multi_reduction <minsi>, %select_n3A_34, %reduce_min3A_35 [0] : vector<8x4096xi32> to vector<4096xi32>
    %broadcast_in_dim3A_37 = vector.shape_cast %reduce_min3A_36 : vector<4096xi32> to vector<1x4096xi32>
    %sub3A = arith.subf %broadcast_in_dim3A_29, %broadcast_in_dim3A : vector<1x4096xf32>
    %exp3A = math.exp %sub3A : vector<1x4096xf32>
    %add3A_38 = arith.constant 1.000000e+00 : f32
    %add3A_39 = vector.broadcast %add3A_38 : f32 to vector<1x4096xf32>
    %add3A_40 = arith.addf %add3A_39, %exp3A : vector<1x4096xf32>
    %div3A = arith.constant 1.000000e+00 : f32
    %div3A_41 = vector.broadcast %div3A : f32 to vector<1x4096xf32>
    %div3A_42 = arith.divf %div3A_41, %add3A_40 : vector<1x4096xf32>
    %div3A_43 = arith.divf %exp3A, %add3A_40 : vector<1x4096xf32>
    %concatenate3A = tpu.concatenate %div3A_42, %div3A_43 in 0 : vector<1x4096xf32>, vector<1x4096xf32> -> vector<2x4096xf32>
    %swap3A = arith.constant 0 : index
    %swap3A_44 = arith.constant 0 : index
    %swap3A_45 = vector.load %arg4[%swap3A, %swap3A_44] : memref<2x4096xf32, #tpu.memory_space<vmem>>, vector<2x4096xf32>
    tpu.vector_store %arg4[%swap3A, %swap3A_44], %concatenate3A {strides = array<i32>} : memref<2x4096xf32, #tpu.memory_space<vmem>>, vector<2x4096xf32>,
    %concatenate3A_46 = tpu.concatenate %broadcast_in_dim3A_21, %broadcast_in_dim3A_37 in 0 : vector<1x4096xi32>, vector<1x4096xi32> -> vector<2x4096xi32>
    %swap3A_47 = arith.constant 0 : index
    %swap3A_48 = arith.constant 0 : index
    %swap3A_49 = vector.load %arg5[%swap3A_47, %swap3A_48] : memref<2x4096xi32, #tpu.memory_space<vmem>>, vector<2x4096xi32>
    tpu.vector_store %arg5[%swap3A_47, %swap3A_48], %concatenate3A_46 {strides = array<i32>} : memref<2x4096xi32, #tpu.memory_space<vmem>>, vector<2x4096xi32>,
    %sub3A_50 = vector.broadcast %broadcast_in_dim3A : vector<1x4096xf32> to vector<8x4096xf32>
    %sub3A_51 = arith.subf %transpose3A, %sub3A_50 : vector<8x4096xf32>
    %exp3A_52 = math.exp %sub3A_51 : vector<8x4096xf32>
    %reduce_sum3A = arith.constant dense<0.000000e+00> : vector<4096xf32>
    %reduce_sum3A_53 = vector.multi_reduction <add>, %exp3A_52, %reduce_sum3A [0] : vector<8x4096xf32> to vector<4096xf32>
    %broadcast_in_dim3A_54 = vector.shape_cast %reduce_sum3A_53 : vector<4096xf32> to vector<1x4096xf32>
    %div3A_55 = vector.broadcast %broadcast_in_dim3A_54 : vector<1x4096xf32> to vector<8x4096xf32>
    %div3A_56 = arith.divf %exp3A_52, %div3A_55 : vector<8x4096xf32>
    %get3A_57 = arith.constant 0 : index
    %get3A_58 = arith.constant 0 : index
    %get3A_59 = vector.load %arg7[%get3A_57, %get3A_58] : memref<8x1xf32, #tpu.memory_space<vmem>>, vector<8x1xf32>
    %reduce_sum3A_60 = arith.constant dense<0.000000e+00> : vector<8xf32>
    %reduce_sum3A_61 = vector.multi_reduction <add>, %div3A_56, %reduce_sum3A_60 [1] : vector<8x4096xf32> to vector<8xf32>
    %broadcast_in_dim3A_62 = vector.shape_cast %reduce_sum3A_61 : vector<8xf32> to vector<8x1xf32>
    %add3A_63 = arith.addf %get3A_59, %broadcast_in_dim3A_62 : vector<8x1xf32>
    %swap3A_64 = arith.constant 0 : index
    %swap3A_65 = arith.constant 0 : index
    %swap3A_66 = vector.load %arg7[%swap3A_64, %swap3A_65] : memref<8x1xf32, #tpu.memory_space<vmem>>, vector<8x1xf32>
    tpu.vector_store %arg7[%swap3A_64, %swap3A_65], %add3A_63 {strides = array<i32>} : memref<8x1xf32, #tpu.memory_space<vmem>>, vector<8x1xf32>,
    %get3A_67 = arith.constant 0 : index
    %get3A_68 = arith.constant 0 : index
    %get3A_69 = vector.load %arg7[%get3A_67, %get3A_68] : memref<8x1xf32, #tpu.memory_space<vmem>>, vector<8x1xf32>
    %swap3A_70 = arith.constant 0 : index
    %swap3A_71 = arith.constant 0 : index
    %swap3A_72 = vector.load %arg6[%swap3A_70, %swap3A_71] : memref<8x1xf32, #tpu.memory_space<vmem>>, vector<8x1xf32>
    tpu.vector_store %arg6[%swap3A_70, %swap3A_71], %get3A_69 {strides = array<i32>} : memref<8x1xf32, #tpu.memory_space<vmem>>, vector<8x1xf32>,
    return
  }
  func.func @transform_0(%arg0: i32) -> (i32, i32) {
    %c0_i32 = arith.constant 0 : i32
    %c0_i32_0 = arith.constant 0 : i32
    return %arg0, %c0_i32 : i32, i32
  }
  func.func @transform_1(%arg0: i32) -> (i32, i32) {
    %c1_i32 = arith.constant 1 : i32
    %c0_i32 = arith.constant 0 : i32
    return %arg0, %c1_i32 : i32, i32
  }
  func.func @transform_2(%arg0: i32) -> (i32, i32) {
    %c0_i32 = arith.constant 0 : i32
    %c0_i32_0 = arith.constant 0 : i32
    %c0_i32_1 = arith.constant 0 : i32
    return %c0_i32, %c0_i32_0 : i32, i32
  }
  func.func @transform_3(%arg0: i32) -> (i32, i32) {
    %c0_i32 = arith.constant 0 : i32
    %c0_i32_0 = arith.constant 0 : i32
    return %c0_i32, %arg0 : i32, i32
  }
  func.func @transform_4(%arg0: i32) -> (i32, i32) {
    %c0_i32 = arith.constant 0 : i32
    %c0_i32_0 = arith.constant 0 : i32
    return %c0_i32, %arg0 : i32, i32
  }
  func.func @transform_5(%arg0: i32) -> (i32, i32) {
    %c0_i32 = arith.constant 0 : i32
    %c0_i32_0 = arith.constant 0 : i32
    %c0_i32_1 = arith.constant 0 : i32
    return %c0_i32, %c0_i32_0 : i32, i32
  }
}

</mosaic_0001>

<sc_bundles>
// kernel: kernel.4.cloned.1.call-start
scs
__scs_entry_jumppad:
0x0: {  	(pc) =	sbr.rel $0x88, $3  }
0x1: {  	(tag) =	ssettag $0x0;
	lr =	simm.s32 $0x1  }
0x2: {  	[smem:$0x3F9F] =	sst lr;
	_ =	strace $0xD0000000  }
0x3: {  	_ = 	snop  }
0x4: {  	_ = 	snop  }
0x5: {  	_ = 	snop  }
0x6: {  	_ = 	snop  }
0x7: {  	_ = 	snop  }
__scs_overlays_trampoline_lowered:
0x8: {  	[smem:$0x3FAE] =	sst s0  }
0x9: {  	[smem:$0x3FAF] =	sst s1  }
0xa: {  	[smem:$0x3FB0] =	sst s2  }
0xb: {  	[smem:$0x3FB1] =	sst s3  }
0xc: {  	[smem:$0x3FB2] =	sst s4  }
0xd: {  	[smem:$0x3FB3] =	sst s5  }
0xe: {  	[smem:$0x3FB4] =	sst s6  }
0xf: {  	[smem:$0x3FB5] =	sst s7  }
0x10: {  	[smem:$0x3FB6] =	sst s8  }
0x11: {  	[smem:$0x3FB7] =	sst s9;
	s0 =	simm.s32 @!p0 $0x0  }
0x12: {  	s1 =	sld [smem:$0x3F9D];
	s0 =	simm.s32 @p0 $0x1  }
0x13: {  	[smem:$0x3FB8] =	sst s0;
	s0 =	simm.s32 @!p1 $0x0  }
0x14: {  	s2 =	sld [smem:$0x3F9C];
	s0 =	simm.s32 @p1 $0x1  }
0x15: {  	[smem:$0x3FB9] =	sst s0;
	s0 =	simm.s32 @!p2 $0x0  }
0x16: {  	s3 =	sld [smem:$0x3FDB];
	s0 =	simm.s32 @p2 $0x1  }
0x17: {  	s4 =	simm.s32 $0x1BF5;
	[smem:$0x3FBB] =	sst s0  }
0x18: {  	s0 =	sld [smem:$0x3F9E];
	_ =	swait.ge [sflag:s4], $0x0  }
0x19: {  	s7 =	sld [smem:$0x3F9F]  }
0x1a: {  	s8 =	sadd.s32 $0xFFFFE003, lr  }
0x1b: {  	s9 =	sadd.s32 $0xFFFFFEF7, lr;
	s5 =	simm.s32 $0xFFFFFFFF;
	p2 =	slt.u32 s8, $0xFFFFF086  }
0x1c: {  	p1 =	slt.u32 s9, $0xF7A;
	s5 =	simm.s32 @!p2 $0x0  }
0x1d: {  	s5 =	simm.s32 @p1 $0x1;
	p0 =	seq.s32 s7, s2  }
0x1e: {  	s7 =	smul.u32 @!p0 $0xF7A, s2;
	p2 =	seq.s32 @!p0 s5, $0x0  }
0x1f: {  	s9 =	smul.u32 $0xF7A, s1;
	s8 =	simm.s32 @!p0 $0x1BF5;
	p2 =	por !p2, p0  }
0x20: {  	[sflag:s8] =	ssyncset.s32 @!p0 $0xFFFFF086;
	s6 =	sadd.s32 @!p0 s3, s7;
	s7 =	simm.s32 @!p0 $0x108  }
0x21: {  	s3 =	sadd.s32 s3, s9;
	s6 =	sadd.s32 @!p0 $0x88, s6;
	s7 =	simm.s32 @p2 $0x1082  }
0x22: {  	[simem:s7], [sflag:s8] =	dma.local @!p0 [hbm:s6], $0xF7A  }
0x23: {  	s9 =	sor.u32 $0xD0000000, s2;
	s6 =	simm.s32 $0x108;
	_ =	swait.ge @!p0 [sflag:s8], $0x0  }
0x24: {  	s3 =	sadd.s32 $0x88, s3;
	s6 =	simm.s32 @!p1 $0x1082;
	[sflag:s4] =	ssyncset.s32 $0xFFFFF086  }
0x25: {  	[simem:s6], [sflag:s4] =	dma.local [hbm:s3], $0xF7A  }
0x26: {  	[smem:$0x3F9F] =	sst s1;
	(tag) =	ssettag s2;
	_ =	strace s9  }
0x27: {  	s1 =	sld [smem:$0x3FAF]  }
0x28: {  	s2 =	sld [smem:$0x3FB0]  }
0x29: {  	s4 =	sld [smem:$0x3FB2]  }
0x2a: {  	p0 =	seq.s32 s5, $0x0;
	s5 =	sld [smem:$0x3FB3]  }
0x2b: {  	s6 =	sld [smem:$0x3FB4]  }
0x2c: {  	s7 =	sld [smem:$0x3FB5]  }
0x2d: {  	s3 =	simm.s32 $0x108;
	s8 =	sld [smem:$0x3FB6]  }
0x2e: {  	s3 =	simm.s32 @!p0 $0x1082;
	s9 =	sld [smem:$0x3FB7]  }
0x2f: {  	lr =	sadd.s32 s0, s3;
	s0 =	sld [smem:$0x3FAE]  }
0x30: {  	s3 =	sld [smem:$0x3FB1]  }
0x31: {  	[smem:$0x3FBA] =	sst s10  }
0x32: {  	s10 =	sld [smem:$0x3FB8];
	_ =	sdelay $0x3  }
0x33: {  	p0 =	seq.s32 s10, $0x1;
	s10 =	sld [smem:$0x3FBA];
	_ =	sdelay $0x3  }
0x34: {  	[smem:$0x3FBA] =	sst s10  }
0x35: {  	s10 =	sld [smem:$0x3FB9];
	_ =	sdelay $0x3  }
0x36: {  	p1 =	seq.s32 s10, $0x1;
	s10 =	sld [smem:$0x3FBA];
	_ =	sdelay $0x3  }
0x37: {  	[smem:$0x3FBA] =	sst s10  }
0x38: {  	s10 =	sld [smem:$0x3FBB]  }
0x39: {  	_ = 	snop;
	(pc) =	sbr.ind lr, $3  }
0x3a: {  	_ = 	snop  }
0x3b: {  	_ = 	snop  }
0x3c: {  	p2 =	seq.s32 s10, $0x1;
	s10 =	sld [smem:$0x3FBA]  }
0x3d: {  	_ =	shalt  }
0x3e: {  	_ =	shalt  }
0x3f: {  	_ =	shalt  }
0x40: {  	_ =	shalt  }
0x41: {  	_ =	shalt  }
0x42: {  	_ =	shalt  }
0x43: {  	_ =	shalt  }
0x44: {  	_ =	shalt  }
0x45: {  	_ =	shalt  }
0x46: {  	_ =	shalt  }
0x47: {  	_ =	shalt  }
0x48: {  	_ =	shalt  }
0x49: {  	_ =	shalt  }
0x4a: {  	_ =	shalt  }
0x4b: {  	_ =	shalt  }
0x4c: {  	_ =	shalt  }
0x4d: {  	_ =	shalt  }
0x4e: {  	_ =	shalt  }
0x4f: {  	_ =	shalt  }
0x50: {  	_ =	shalt  }
0x51: {  	_ =	shalt  }
0x52: {  	_ =	shalt  }
0x53: {  	_ =	shalt  }
0x54: {  	_ =	shalt  }
0x55: {  	_ =	shalt  }
0x56: {  	_ =	shalt  }
0x57: {  	_ =	shalt  }
0x58: {  	_ =	shalt  }
0x59: {  	_ =	shalt  }
0x5a: {  	_ =	shalt  }
0x5b: {  	_ =	shalt  }
0x5c: {  	_ =	shalt  }
0x5d: {  	_ =	shalt  }
0x5e: {  	_ =	shalt  }
0x5f: {  	_ =	shalt  }
0x60: {  	_ =	shalt  }
0x61: {  	_ =	shalt  }
0x62: {  	_ =	shalt  }
0x63: {  	_ =	shalt  }
0x64: {  	_ =	shalt  }
0x65: {  	_ =	shalt  }
0x66: {  	_ =	shalt  }
0x67: {  	_ =	shalt  }
0x68: {  	_ =	shalt  }
0x69: {  	_ =	shalt  }
0x6a: {  	_ =	shalt  }
0x6b: {  	_ =	shalt  }
0x6c: {  	_ =	shalt  }
0x6d: {  	_ =	shalt  }
0x6e: {  	_ =	shalt  }
0x6f: {  	_ =	shalt  }
0x70: {  	_ =	shalt  }
0x71: {  	_ =	shalt  }
0x72: {  	_ =	shalt  }
0x73: {  	_ =	shalt  }
0x74: {  	_ =	shalt  }
0x75: {  	_ =	shalt  }
0x76: {  	_ =	shalt  }
0x77: {  	_ =	shalt  }
0x78: {  	_ =	shalt  }
0x79: {  	_ =	shalt  }
0x7a: {  	_ =	shalt  }
0x7b: {  	_ =	shalt  }
0x7c: {  	_ =	shalt  }
0x7d: {  	_ =	shalt  }
0x7e: {  	_ =	shalt  }
0x7f: {  	_ =	shalt  }
0x80: {  	_ =	shalt  }
0x81: {  	_ =	shalt  }
0x82: {  	_ =	shalt  }
0x83: {  	_ =	shalt  }
0x84: {  	_ =	shalt  }
0x85: {  	_ =	shalt  }
0x86: {  	_ =	shalt  }
0x87: {  	_ =	shalt  }
.Lfunc_end0:
.L_simem_size_0:
called_computation_lowered:
.L_overlay_start_0:
0x88: {  	s2 =	sld [smem:$0x3FD9]  }
0x89: {  	s3 =	sld [smem:$0x3FFE];
	_ =	sdelay $0x1  }
0x8a: {  	s1 =	srdreg.scid  }
0x8b: {  	s0 =	sand.u32 $0x1, s1  }
0x8c: {  	s14 =	sshll.u32 s0, $0xA;
	s2 =	sadd.s32 s3, s2  }
0x8d: {  	s2 =	sadd.s32 s2, s14  }
0x8e: {  	[smem:$0x3FC6] =	sst s2  }
0x8f: {  	_ = 	snop  }
0x90: {  	s2 =	sld [smem:$0x3FD0];
	_ =	sdelay $0x2  }
0x91: {  	s15 =	simm.s32 $0xA;
	s4 =	simm.s32 $0x10  }
0x92: {  	[smem:s4], [sflag:s15] =	dma.local [hbm:s2], $0x1  }
0x93: {  	_ =	swait.eq [sflag:s15], $0x1  }
0x94: {  	[sflag:s15] =	ssyncset.done $0x0  }
0x95: {  	[sflag:s15] =	ssyncadd.s32 $0xFFFFFFFF  }
0x96: {  	s16 =	sld [smem:$0x12];
	(tm) =	ssettm $0x1  }
0x97: {  	s17 =	sld [smem:$0x3FFB];
	_ =	sdelay $0x3  }
0x98: {  	_ =	strace s17  }
0x99: {  	s3 =	sld [smem:$0x3FFC];
	_ =	sdelay $0x3  }
0x9a: {  	_ =	strace s3  }
0x9b: {  	s3 =	sld [smem:$0x3FFD];
	_ =	sdelay $0x3  }
0x9c: {  	_ =	strace s3  }
0x9d: {  	_ =	strace $0x8FFFFFFF  }
0x9e: {  	s18 =	sld [smem:$0x3FDB];
	_ =	sdelay $0x1  }
0x9f: {  	s19 =	simm.s32 $_scs_section_size  }
0xa0: {  	s5 =	simm.s32 $_size__tile_overlayer_lowered;
	s6 =	simm.s32 $_tile_overlayer_lowered  }
0xa1: {  	s22 =	simm.s32 $0x1BFF;
	s21 =	sshll.u32 s6, $0x1;
	s3 =	sadd.s32 s19, s18  }
0xa2: {  	s7 =	simm.s32 $0x0;
	s20 =	sshll.u32 s5, $0x1;
	s5 =	sadd.s32 s21, s3  }
0xa3: {  	[timem:s7], [sflag:s22] =	dma.local [hbm:s5], s20  }
0xa4: {  	_ =	swait.ge [sflag:s22], s20  }
0xa5: {  	s4 =	ssub.s32 $0x0, s20;
	[sflag:s22] =	ssyncset.done $0x0  }
0xa6: {  	[sflag:s22] =	ssyncadd.s32 s4;
	_ =	sdelay $0x1  }
0xa7: {  	s23 =	simm.s32 $0x1B8B  }
0xa8: {  	_ =	swait.ge [sflag:s23], $0x1  }
0xa9: {  	[sflag:s23] =	ssyncset.done $0x0  }
0xaa: {  	s25 =	simm.s32 $0x1B8E;
	s24 =	sld [smem:$0x3FFE];
	[sflag:s23] =	ssyncadd.s32 $0xFFFFFFFF  }
0xab: {  	s26 =	simm.s32 $execute0_lowered;
	[smem:$0x3FD2] =	sst s25  }
0xac: {  	s5 =	sshll.u32 s26, $0x1;
	_ =	strace $0x80000046;
	[dreg:$0x1] =	wrdreg $0xFFFFFFFF  }
0xad: {  	s28 =	simm.s32 $_size_execute0_lowered;
	s3 =	sadd.s32 s3, s5;
	[dreg:$0x0] =	wrdreg $0x0  }
0xae: {  	s5 =	sshll.u32 s28, $0x1;
	[dreg:$0x2] =	wrdreg s3  }
0xaf: {  	[dreg:$0x3] =	wrdreg s5  }
0xb0: {  	[dreg:$0x4] =	wrdreg $0xC0  }
0xb1: {  	_ =	task [dreg:s7], $0x5FFFF  }
0xb2: {  	[dreg:$0x1] =	wrdreg $0xFFFFFFFF  }
0xb3: {  	[dreg:$0x0] =	wrdreg $0x60  }
0xb4: {  	[dreg:$0x2] =	wrdreg s24  }
0xb5: {  	[dreg:$0x3] =	wrdreg s16  }
0xb6: {  	[dreg:$0x4] =	wrdreg $0x16800  }
0xb7: {  	[dreg:$0x5] =	wrdreg $0x9  }
0xb8: {  	_ =	task.clear_ibuf [dreg:s7], $0x6FFFF;
	_ =	strace $0x90000046  }
0xb9: {  	s29 =	simm.s32 $0x9;
	_ =	strace $0x80000048  }
0xba: {  	_ =	swait.ge [sflag:s29], $0x1  }
0xbb: {  	[sflag:s29] =	ssyncadd.s32 $0xFFFFFFFF  }
0xbc: {  	_ =	strace $0x90000048  }
0xbd: {  	_ =	sfence  }
0xbe: {  	s30 =	sld [smem:$0x0];
	_ =	sdelay $0x2  }
0xbf: {  	s31 =	sshll.u32 s1, $0xD;
	s1 =	sshrl.u32 s1, $0x2  }
0xc0: {  	s3 =	sand.u32 $0x4000, s31;
	s1 =	sadd.s32 s1, s30  }
0xc1: {  	s0 =	sor.u32 s3, s0;
	s1 =	sshll.u32 s1, $0x11  }
0xc2: {  	s0 =	sor.u32 s1, s0  }
0xc3: {  	s0 =	sadd.s32 $0x8F2B, s0  }
0xc4: {  	[sflag:s0] =	ssyncadd.remote.s32 $0x1  }
0xc5: {  	_ =	sfence.sel $0xFFFF  }
0xc6: {  	[dreg:$0x0] =	wrdreg $0xFFFFFFFF;
	(pc) =	sbr.abs _section_cstart, $3  }
0xc7: {  	[dreg:$0x1] =	wrdreg $0xFFFFFFFF  }
0xc8: {  	_ =	task.clear_ibuf [dreg:s7], $0x2FFFF;
	_ =	strace $0x9FFFFFFF  }
0xc9: {  	(tm) =	ssettm $0x7FFFFFFF  }
tec
execute0_lowered:
.L_overlay_start_1:
0x0: {  	(tag) =	ssettag $0x1  }
0x1: {  	s4 =	rddreg [dreg:$0x0]  }
0x2: {  	s1 =	rddreg [dreg:$0x1]  }
0x3: {  	s2 =	rddreg [dreg:$0x2]  }
0x4: {  	s0 =	rddreg [dreg:$0x3];
	s5 =	srdreg.scid  }
0x5: {  	s3 =	simm.s32 $0x0;
	s7 =	stileid.u32;
	s10 =	simm.s32 $0x1480  }
0x6: {  	s11 =	simm.s32 $0x0;
	s6 =	sand.u32 $0x1, s5;
	[smem:$0x7FF] =	sst s3  }
0x7: {  	s30 =	sshll.u32 s7, $0x9;
	p0 =	sne.s32 s7, $0x0;
	s8 =	ssub.s32 $0x2, s6  }
0x8: {  	v0 =	vimm.s32 $0x0;
	v1 =	vimm.f32 $0.0e+00;
	_ =	strace $0x80000047;
	s5 =	sadd.s32 s30, s4;
	s4 =	sadd.s32 $0x2200, s4  }
0x9: {  	vm0 =	vcmask $0x3F3C;
	v2 =	vimm.s32 $0x1;
	v3 =	vimm.s32 $0x2;
	s31 =	sor.u32 s7, s6;
	s7 =	simm.s32 $0x1;
	s9 =	sshrl.u32 s8, $0x1  }
0xa: {  	v4 =	vimm.s32 $0x3;
	v5 =	vimm.s32 $0x4;
	v6 =	vimm.s32 $0x5;
	s5 =	sadd.s32 $0x200, s5;
	p1 =	sne.s32 s31, $0x0;
	s8 =	ssub.s32 s8, s9  }
0xb: {  	v7 =	vimm.s32 $0x6;
	v8 =	vimm.s32 $0x7;
	v9 =	vlaneseq.u32;
	s9 =	simm.s32 $0x10;
	s6 =	smax.u32 s8, $0x1;
	s8 =	simm.s32 $0x1400  }
.LBB2_1:
0xc: {  	v10 =	vimm.f32 @!p0 $0.0e+00  }
0xd: {  	s12 =	simm.s32 @!p0 $0x1500;
	[tilespmem:$0x1500] =	vst @!p0 v10  }
0xe: {  	[spmem:s2] =	stream.linear.scatter @!p0 [tilespmem:s12], [sflag:$0x1], $0x80, $0x38;
	[tilespmem:$0x1688] =	vst v63  }
0xf: {  	s12 =	simm.s32 @!p0 $0x1  }
0x10: {  	_ =	swait.ge @!p0 [sflag:s12], $0x80  }
0x11: {  	[sflag:s12] =	ssyncset.done @!p0 $0x0  }
0x12: {  	[sflag:s12] =	ssyncadd.s32 @!p0 $0xFFFFFF80  }
0x13: {  	[tilespmem:s3], [sflag:$0x1] =	stream.linear.gather [hbm4b:s5+s3], $0x1000, $0x38;
	[tilespmem:$0x1688] =	vst v63  }
0x14: {  	_ =	swait.ge [sflag:s7], $0x1000  }
0x15: {  	[sflag:s7] =	ssyncset.done $0x0  }
0x16: {  	[sflag:s7] =	ssyncadd.s32 $0xFFFFF000  }
0x17: {  	[tilespmem:$0x1000] =	vst v0  }
0x18: {  	[tilespmem:$0x1080] =	vst v0  }
0x19: {  	[tilespmem:$0x1100] =	vst v0  }
0x1a: {  	[tilespmem:$0x1180] =	vst v0  }
0x1b: {  	[tilespmem:$0x1200] =	vst v0  }
0x1c: {  	[tilespmem:$0x1280] =	vst v0  }
0x1d: {  	[tilespmem:$0x1300] =	vst v0  }
0x1e: {  	[tilespmem:$0x1380] =	vst v0  }
0x1f: {  	[bflag:$0x0] =	sbarrier.arrive $0xFFFF  }
0x20: {  	v17 =	vld [tilespmem:$0x1000]  }
0x21: {  	v16 =	vld [tilespmem:$0x1080]  }
0x22: {  	v15 =	vld [tilespmem:$0x1100]  }
0x23: {  	v14 =	vld [tilespmem:$0x1180]  }
0x24: {  	v13 =	vld [tilespmem:$0x1200]  }
0x25: {  	v12 =	vld [tilespmem:$0x1280]  }
0x26: {  	v10 =	vld [tilespmem:$0x1300]  }
0x27: {  	s13 =	simm.s32 $0x0;
	s12 =	simm.s32 $0x40;
	v11 =	vld [tilespmem:$0x1380]  }
.LBB2_2:
0x28: {  	p2 =	sne.s32 s12, $0x3FC0;
	v18 =	vld [tilespmem:s13+$0x0];
	_ =	sdelay $0x4  }
0x29: {  	vm1 =	veq.s32 v18, $0x0;
	vm2 =	veq.s32 v18, $0x1;
	vm3 =	veq.s32 v18, $0x2  }
0x2a: {  	v19 =	vsel vm1, $0x1, v0;
	v20 =	vsel vm2, $0x1, v0;
	v21 =	vsel vm3, $0x1, v0  }
0x2b: {  	v17 =	vadd.s32 v19, v17;
	v16 =	vadd.s32 v20, v16;
	v15 =	vadd.s32 v21, v15  }
0x2c: {  	vm1 =	veq.s32 v18, $0x3;
	vm2 =	veq.s32 v18, $0x4;
	vm3 =	veq.s32 v18, $0x5;
	[tilespmem:$0x1000] =	vst v17  }
0x2d: {  	v19 =	vsel vm1, $0x1, v0;
	v20 =	vsel vm2, $0x1, v0;
	v21 =	vsel vm3, $0x1, v0;
	[tilespmem:$0x1080] =	vst v16  }
0x2e: {  	v14 =	vadd.s32 v19, v14;
	v13 =	vadd.s32 v20, v13;
	v12 =	vadd.s32 v21, v12;
	[tilespmem:$0x1100] =	vst v15  }
.Ltmp0:
0x2f: {  	vm1 =	veq.s32 v18, $0x6;
	vm2 =	veq.s32 v18, $0x7;
	[tilespmem:$0x1180] =	vst v14;
	(pc) =	sbr.rel @p2 .LBB2_2-.Ltmp0, $4  }
0x30: {  	v18 =	vsel vm1, $0x1, v0;
	v19 =	vsel vm2, $0x1, v0;
	[tilespmem:$0x1200] =	vst v13  }
0x31: {  	v10 =	vadd.s32 v18, v10;
	v11 =	vadd.s32 v19, v11;
	[tilespmem:$0x1280] =	vst v12  }
0x32: {  	[tilespmem:$0x1300] =	vst v10  }
0x33: {  	s13 =	sshra.s32 s12, $0x2;
	s12 =	sadd.s32 $0x40, s12;
	[tilespmem:$0x1380] =	vst v11  }
0x34: {  	v18 =	vld [tilespmem:s13+$0x0];
	_ =	sdelay $0x4  }
0x35: {  	vm1 =	veq.s32 v18, $0x0  }
0x36: {  	v19 =	vsel vm1, $0x1, v0  }
0x37: {  	v17 =	vadd.s32 v19, v17  }
0x38: {  	[tilespmem:$0x1000] =	vst v17  }
0x39: {  	v17 =	vld [tilespmem:$0x1000];
	_ =	sdelay $0x4  }
0x3a: {  	v17 =	vcvt.s32.f32 v17;
	_ =	sdelay $0x1  }
0x3b: {  	vm2 =	veq.s32 v18, $0x2;
	(xrf2) =	vadd.scan.msk.f32 $0xffff, v17  }
0x3c: {  	vm1 =	veq.s32 v18, $0x1;
	v58 =	vsel vm2, $0x1, v0  }
0x3d: {  	vm2 =	veq.s32 v18, $0x4;
	v57 =	vsel vm1, $0x1, v0;
	vm1 =	veq.s32 v18, $0x3  }
0x3e: {  	[tilespmem:$0x1400] =	vst v1;
	v15 =	vadd.s32 v58, v15;
	v60 =	vsel vm2, $0x1, v0;
	vm2 =	veq.s32 v18, $0x7  }
0x3f: {  	v16 =	vadd.s32 v57, v16;
	v59 =	vsel vm1, $0x1, v0;
	vm1 =	veq.s32 v18, $0x5;
	[tilespmem:$0x1100] =	vst v15  }
0x40: {  	v13 =	vadd.s32 v60, v13;
	[tilespmem:$0x1080] =	vst v16;
	v61 =	vsel vm1, $0x1, v0;
	vm1 =	veq.s32 v18, $0x6  }
0x41: {  	v63 =	vsel vm2, $0x1, v0;
	v14 =	vadd.s32 v59, v14;
	[tilespmem:$0x1200] =	vst v13;
	v62 =	vsel vm1, $0x1, v0  }
0x42: {  	v11 =	vadd.s32 v63, v11;
	[tilespmem:$0x1180] =	vst v14;
	v10 =	vadd.s32 v62, v10  }
0x43: {  	v12 =	vadd.s32 v61, v12;
	[tilespmem:$0x1380] =	vst v11  }
0x44: {  	[tilespmem:$0x1280] =	vst v12  }
0x45: {  	[tilespmem:$0x1300] =	vst v10;
	v10, _, _ =	vpop (xrf2)  }
0x46: {  	[tilespmem:v0+s8+$0x0] =	vst.idx.msk vm0, v10  }
0x47: {  	v10 =	vld [tilespmem:$0x1080];
	_ =	sdelay $0x4  }
0x48: {  	v10 =	vcvt.s32.f32 v10;
	_ =	sdelay $0x1  }
0x49: {  	(xrf2) =	vadd.scan.msk.f32 $0xffff, v10;
	_ =	sdelay $0x9  }
0x4a: {  	v10, _, _ =	vpop (xrf2)  }
0x4b: {  	[tilespmem:v2+s8+$0x0] =	vst.idx.msk vm0, v10  }
0x4c: {  	v10 =	vld [tilespmem:$0x1100];
	_ =	sdelay $0x4  }
0x4d: {  	v10 =	vcvt.s32.f32 v10;
	_ =	sdelay $0x1  }
0x4e: {  	(xrf2) =	vadd.scan.msk.f32 $0xffff, v10;
	_ =	sdelay $0x9  }
0x4f: {  	v10, _, _ =	vpop (xrf2)  }
0x50: {  	[tilespmem:v3+s8+$0x0] =	vst.idx.msk vm0, v10  }
0x51: {  	v10 =	vld [tilespmem:$0x1180];
	_ =	sdelay $0x4  }
0x52: {  	v10 =	vcvt.s32.f32 v10;
	_ =	sdelay $0x1  }
0x53: {  	(xrf2) =	vadd.scan.msk.f32 $0xffff, v10;
	_ =	sdelay $0x9  }
0x54: {  	v10, _, _ =	vpop (xrf2)  }
0x55: {  	[tilespmem:v4+s8+$0x0] =	vst.idx.msk vm0, v10  }
0x56: {  	v10 =	vld [tilespmem:$0x1200];
	_ =	sdelay $0x4  }
0x57: {  	v10 =	vcvt.s32.f32 v10;
	_ =	sdelay $0x1  }
0x58: {  	(xrf2) =	vadd.scan.msk.f32 $0xffff, v10;
	_ =	sdelay $0x9  }
0x59: {  	v10, _, _ =	vpop (xrf2)  }
0x5a: {  	[tilespmem:v5+s8+$0x0] =	vst.idx.msk vm0, v10  }
0x5b: {  	v10 =	vld [tilespmem:$0x1280];
	_ =	sdelay $0x4  }
0x5c: {  	v10 =	vcvt.s32.f32 v10;
	_ =	sdelay $0x1  }
0x5d: {  	(xrf2) =	vadd.scan.msk.f32 $0xffff, v10;
	_ =	sdelay $0x9  }
0x5e: {  	v10, _, _ =	vpop (xrf2)  }
0x5f: {  	[tilespmem:v6+s8+$0x0] =	vst.idx.msk vm0, v10  }
0x60: {  	v10 =	vld [tilespmem:$0x1300];
	_ =	sdelay $0x4  }
0x61: {  	v10 =	vcvt.s32.f32 v10;
	_ =	sdelay $0x1  }
0x62: {  	(xrf2) =	vadd.scan.msk.f32 $0xffff, v10;
	_ =	sdelay $0x9  }
0x63: {  	v10, _, _ =	vpop (xrf2)  }
0x64: {  	[tilespmem:v7+s8+$0x0] =	vst.idx.msk vm0, v10  }
0x65: {  	v10 =	vld [tilespmem:$0x1380];
	_ =	sdelay $0x4  }
0x66: {  	v10 =	vcvt.s32.f32 v10;
	_ =	sdelay $0x1  }
0x67: {  	(xrf2) =	vadd.scan.msk.f32 $0xffff, v10;
	_ =	sdelay $0x9  }
0x68: {  	v10, _, _ =	vpop (xrf2)  }
0x69: {  	[tilespmem:v8+s8+$0x0] =	vst.idx.msk vm0, v10  }
0x6a: {  	[tilespmem:$0x1480] =	vst v9  }
0x6b: {  	[spmem:s2] =	stream.indirect.scatter.add.f32 [tilespmem:s8], [sflag:$0x1], $0x1, s10, s9, $0xb8;
	[tilespmem:$0x1688] =	vst v63  }
0x6c: {  	_ =	swait.ge [sflag:s7], $0x10  }
0x6d: {  	[sflag:s7] =	ssyncset.done $0x0  }
0x6e: {  	[sflag:s7] =	ssyncadd.s32 $0xFFFFFFF0  }
0x6f: {  	v10 =	vimm.f32 @!p1 $0.0e+00;
	[bflag:$0x0] =	sbarrier.arrive $0xFFFF  }
0x70: {  	s12 =	simm.s32 @!p1 $0x0;
	s13 =	simm.s32 @!p1 $0x1580;
	[tilespmem:$0x1580] =	vst @!p1 v10  }
0x71: {  	[tilespmem:s13], [sflag:$0x1] =	stream.linear.gather @!p1 [hbm4b:s1+s12], $0x8, $0x38;
	[tilespmem:$0x1688] =	vst v63  }
0x72: {  	s13 =	simm.s32 @!p1 $0x1  }
0x73: {  	_ =	swait.ge @!p1 [sflag:s13], $0x8  }
0x74: {  	[sflag:s13] =	ssyncset.done @!p1 $0x0  }
0x75: {  	s14 =	simm.s32 @!p1 $0x1400;
	[sflag:s13] =	ssyncadd.s32 @!p1 $0xFFFFFFF8  }
0x76: {  	[tilespmem:s14], [sflag:$0x1] =	stream.linear.gather @!p1 [spmem:s2], $0x80, $0x38;
	[tilespmem:$0x1688] =	vst v63  }
0x77: {  	_ =	swait.ge @!p1 [sflag:s13], $0x80  }
0x78: {  	[sflag:s13] =	ssyncset.done @!p1 $0x0  }
0x79: {  	[sflag:s13] =	ssyncadd.s32 @!p1 $0xFFFFFF80  }
0x7a: {  	v10 =	vld @!p1 [tilespmem:$0x1400]  }
0x7b: {  	v11 =	vld @!p1 [tilespmem:$0x1580];
	_ =	sdelay $0x4  }
0x7c: {  	v10 =	vmul.f32 @!p1 v11, v10;
	_ =	sdelay $0x1  }
0x7d: {  	v10 =	vmul.f32 @!p1 $7.450580600e-09, v10;
	_ =	sdelay $0x1  }
0x7e: {  	(xrf2) =	vadd.scan.msk.f32 @!p1 $0xffff, v10;
	_ =	sdelay $0x8  }
0x7f: {  	s11 =	sadd.s32 $0x1, s11  }
0x80: {  	p2 =	sne.s32 s11, s6;
	v10, _, _ =	vpop @!p1 (xrf2)  }
.Ltmp1:
0x81: {  	s14 =	simm.s32 @!p1 $0x1600;
	[tilespmem:$0x1600] =	vst @!p1 v10;
	(pc) =	sbr.rel @p2 .LBB2_1-.Ltmp1, $4  }
0x82: {  	[hbm4b:s4+s12] =	stream.linear.scatter @!p1 [tilespmem:s14], [sflag:$0x1], $0x80, $0x38;
	[tilespmem:$0x1688] =	vst v63  }
0x83: {  	_ =	swait.ge @!p1 [sflag:s13], $0x80  }
0x84: {  	[sflag:s13] =	ssyncset.done @!p1 $0x0  }
0x85: {  	[sflag:s13] =	ssyncadd.s32 @!p1 $0xFFFFFF80  }
0x86: {  	_ =	sfence.sel $0x180000  }
0x87: {  	[bflag:$0x0] =	sbarrier.arrive $0xFFFF  }
0x88: {  	_ =	strace $0x90000047  }
0x89: {  	s0 =	sadd.s32 @!p0 $0x100000, s0;
	[bflag:$0x2] =	sbarrier.arrive $0xFFFF  }
0x8a: {  	[sflag:s0] =	ssyncadd.tile.s32 @!p0 $0x1;
	_ =	shalt  }
.Lfunc_end2:
_tile_overlayer_lowered:
.L_overlay_start_2:
0x8b: {  	(tag) =	ssettag $0x2  }
0x8c: {  	s0 =	rddreg [dreg:$0x0];
	s2 =	stileid.u32  }
0x8d: {  	s1 =	rddreg [dreg:$0x1];
	p0 =	sne.s32 s2, $0x0  }
0x8e: {  	s3 =	rddreg [dreg:$0x2];
	[bflag:$0x3] =	sbarrier.arrive $0xFFFF;
	s2 =	simm.s32 @!p0 $0x1C01  }
0x8f: {  	[timem:s3], [sflag:s2] =	dma.local @!p0 [hbm:s0], s1  }
0x90: {  	s0 =	simm.s32 @!p0 $0x1  }
0x91: {  	_ =	swait.ge @!p0 [sflag:s0], s1  }
0x92: {  	s1 =	ssub.s32 @!p0 $0x0, s1;
	[sflag:s0] =	ssyncset.done @!p0 $0x0  }
0x93: {  	[sflag:s0] =	ssyncadd.s32 @!p0 s1  }
0x94: {  	[bflag:$0x3] =	sbarrier.arrive $0xFFFF  }
0x95: {  	_ =	shalt  }

</sc_bundles>
